<compile_context>
chip_gen: v7x
topology: tpu7x:2x2x1
jax: 0.10.2.dev20260603
libtpu: 0.0.44.dev20260713+nightly
codegen_flags: <defaults>
</compile_context>

<pallas_src>
import functools

import jax
import jax.numpy as jnp
from jax import lax
from jax.experimental import pallas as pl
from jax.experimental.pallas import tpu as pltpu
from jax.experimental.pallas import tpu_sc as plsc

V = 1000000
D = 64
K = 3
B = 16384
N = B * K
NC, NS = 2, 16
NW = NC * NS
CHUNK = 128
ROWS_PER_W = N // NW
CPW = ROWS_PER_W // CHUNK
PAIR = 2 * D
TV = 16384
S = 507904
NBLK = S // TV


def _tp_body(lo_ref, hi_ref, eye_ref, out_ref):
    out_ref[:, 0:D] = lax.dot_general(
        lo_ref[...], eye_ref[...], (((0,), (0,)), ((), ())),
        preferred_element_type=jnp.float32)
    out_ref[:, D:PAIR] = lax.dot_general(
        hi_ref[...], eye_ref[...], (((0,), (0,)), ((), ())),
        preferred_element_type=jnp.float32)


def _pack(tT):
    eye = jnp.eye(D, dtype=jnp.float32)
    return pl.pallas_call(
        _tp_body,
        grid=(NBLK,),
        in_specs=[
            pl.BlockSpec((D, TV), lambda i: (0, i)),
            pl.BlockSpec((D, TV), lambda i: (0, i + NBLK)),
            pl.BlockSpec((D, D), lambda i: (0, 0)),
        ],
        out_specs=pl.BlockSpec((TV, PAIR), lambda i: (i, 0)),
        out_shape=jax.ShapeDtypeStruct((S, PAIR), jnp.float32),
        compiler_params=pltpu.CompilerParams(
            vmem_limit_bytes=100 * 1024 * 1024),
    )(tT, tT, eye)


def _make_gather(n_rows):
    cpw = n_rows // NW // CHUNK

    def _gather_body(idx_hbm, table_hbm, out_hbm, idx_v, buf0, buf1,
                     gsem0, gsem1, osem0, osem1):
        wid = lax.axis_index("s") * NC + lax.axis_index("c")
        pltpu.sync_copy(idx_hbm.at[wid], idx_v)
        bufs = (buf0, buf1)
        gsems = (gsem0, gsem1)
        osems = (osem0, osem1)
        ocps = [None, None]
        for j in range(cpw):
            b = j & 1
            if ocps[b] is not None:
                ocps[b].wait()
            pltpu.async_copy(table_hbm.at[idx_v.at[j]], bufs[b],
                             gsems[b]).wait()
            ocps[b] = pltpu.async_copy(
                bufs[b],
                out_hbm.at[pl.ds((wid * cpw + j) * CHUNK, CHUNK)],
                osems[b],
            )
        for b in (0, 1):
            if ocps[b] is not None:
                ocps[b].wait()

    return functools.partial(
        pl.kernel,
        mesh=plsc.VectorSubcoreMesh(core_axis_name="c", subcore_axis_name="s"),
        out_type=jax.ShapeDtypeStruct((n_rows, PAIR), jnp.float32),
        scratch_types=[
            pltpu.VMEM((cpw, CHUNK), jnp.int32),
            pltpu.VMEM((CHUNK, PAIR), jnp.float32),
            pltpu.VMEM((CHUNK, PAIR), jnp.float32),
            pltpu.SemaphoreType.DMA,
            pltpu.SemaphoreType.DMA,
            pltpu.SemaphoreType.DMA,
            pltpu.SemaphoreType.DMA,
        ],
        compiler_params=pltpu.CompilerParams(use_tc_tiling_on_sc=True),
    )(_gather_body)


_gather_all = _make_gather(N)


BM = 2048


def _mlp_body(rows_ref, x_ref, w1_ref, b1_ref, w2_ref, b2_ref, out_ref):
    x = x_ref[...]
    total = b1_ref[...]
    for k in range(K):
        pair = rows_ref[:, k * PAIR:(k + 1) * PAIR]
        hi = x[:, k:k + 1] >= S
        e = jnp.where(hi, pair[:, D:PAIR], pair[:, 0:D])
        total = total + jnp.dot(e, w1_ref[k * D:(k + 1) * D, :],
                                preferred_element_type=jnp.float32)
    h = jnp.maximum(total, 0.0)
    o = jnp.sum(h * w2_ref[...], axis=1, keepdims=True) + b2_ref[...]
    out_ref[...] = jax.nn.sigmoid(o)


def _mlp(rows, x, w1, b1, w2row, b2):
    nb = rows.shape[0]
    grid = (nb // BM,)
    return pl.pallas_call(
        _mlp_body,
        grid=grid,
        in_specs=[
            pl.BlockSpec((BM, K * PAIR), lambda i: (i, 0)),
            pl.BlockSpec((BM, K), lambda i: (i, 0)),
            pl.BlockSpec((K * D, D), lambda i: (0, 0)),
            pl.BlockSpec((1, D), lambda i: (0, 0)),
            pl.BlockSpec((1, D), lambda i: (0, 0)),
            pl.BlockSpec((1, 1), lambda i: (0, 0)),
        ],
        out_specs=pl.BlockSpec((BM, 1), lambda i: (i, 0)),
        out_shape=jax.ShapeDtypeStruct((nb, 1), jnp.float32),
    )(rows, x, w1, b1, w2row, b2)


@jax.jit
def kernel(x, table, W1, b1, W2, b2):
    table2 = _pack(table.T)
    flat = x.reshape(-1)
    idx3d = jnp.where(flat >= S, flat - S, flat).reshape(NW, CPW, CHUNK)
    wide = _gather_all(idx3d, table2)
    rows = wide.reshape(B, K * PAIR)
    return _mlp(rows, x, W1, b1.reshape(1, D), W2.reshape(1, D),
                b2.reshape(1, 1))

# --- scband reference (transcript-rebuilt; emitter-appended) ---
"""Pipeline reference for scband-recipe-harmony-net-35064113004643 (READ-ONLY COPY).

The authoritative reference and input builder live on the scoring server;
editing this copy changes nothing except your own understanding.
"""

import jax, jax.numpy as jnp
import numpy as np

V = 1000000
D = 64
B = 16384

def setup_inputs(seed: int = 0) -> dict:
    key = jax.random.key(seed)
    k1, k2, k3, k4 = jax.random.split(key, 4)
    x = jax.random.randint(k1, (B, 3), 0, V)
    table = jax.random.normal(k2, (V, D), dtype=jnp.float32)
    table = table.at[0].set(0.0)  # padding_idx=0 row initialized to zeros
    W1 = jax.random.normal(k3, (3 * D, 64), dtype=jnp.float32) * 0.05
    b1 = jnp.zeros((64,), dtype=jnp.float32)
    W2 = jax.random.normal(k4, (64, 1), dtype=jnp.float32) * 0.05
    b2 = jnp.zeros((1,), dtype=jnp.float32)
    return {"x": x, "table": table, "W1": W1, "b1": b1, "W2": W2, "b2": b2}

def reference(x, table, W1, b1, W2, b2):
    # nn.Embedding with padding_idx=0: row 0 is zero; mask keeps it exactly zero
    emb = jnp.take(table, x, axis=0)
    emb = emb * (x != 0)[..., None].astype(emb.dtype)
    flat = emb.reshape(x.shape[0], -1)
    h = jax.nn.relu(flat @ W1 + b1)
    out = jax.nn.sigmoid(h @ W2 + b2)
    return out

if __name__ == "__main__":
    import jax
    _d = setup_inputs()
    print(jax.jit(kernel)(*tuple(_d.values())))

</pallas_src>

<mosaic_0001>
#map = affine_map<(d0, d1) -> (0, 0, 0)>
#map1 = affine_map<(d0, d1) -> (0, 0)>
module attributes {stable_mosaic.version = 14 : i64} {
  func.func @_gather_body(%arg0: i32, %arg1: i32, %arg2: memref<32x12x128xi32, #tpu.memory_space<hbm>>, %arg3: memref<507904x128xf32, #tpu.memory_space<hbm>>, %arg4: memref<49152x128xf32, #tpu.memory_space<hbm>>, %arg5: memref<12x128xi32, #tpu.memory_space<vmem>>, %arg6: memref<128x128xf32, #tpu.memory_space<vmem>>, %arg7: memref<128x128xf32, #tpu.memory_space<vmem>>, %arg8: memref<!tpu.dma_semaphore, #tpu.memory_space<semaphore_mem>>, %arg9: memref<!tpu.dma_semaphore, #tpu.memory_space<semaphore_mem>>, %arg10: memref<!tpu.dma_semaphore, #tpu.memory_space<semaphore_mem>>, %arg11: memref<!tpu.dma_semaphore, #tpu.memory_space<semaphore_mem>>) attributes {dimension_semantics = [#tpu.dimension_semantics<core_parallel>, #tpu.dimension_semantics<subcore_parallel>], iteration_bounds = array<i64: 2, 16>, scalar_prefetch = 0 : i64, scratch_operands = 7 : i64, tpu.core_type = #tpu.core_type<sc_vector_subcore>, window_params = [{transform_indices = #map}, {transform_indices = #map1}, {transform_indices = #map1}]} {
    %mul3A = arith.constant 2 : i32
    %mul3A_0 = arith.muli %arg1, %mul3A : i32
    %add3A = arith.addi %mul3A_0, %arg0 : i32
    "tpu.region"() ({
      %run_scoped3A = tpu.sem_alloc : memref<!tpu.dma_semaphore, #tpu.memory_space<semaphore_mem>>
      %dma_start3A_335 = arith.constant 0 : i32
      %dma_start3A_336 = arith.constant 0 : i32
      %dma_start3A_337 = tpu.memref_slice %arg2[%add3A, %dma_start3A_335, %dma_start3A_336] : memref<32x12x128xi32, #tpu.memory_space<hbm>> -> memref<1x12x128xi32, #tpu.memory_space<hbm>>
      %dma_start3A_338 = tpu.memref_squeeze %dma_start3A_337 : memref<1x12x128xi32, #tpu.memory_space<hbm>> -> memref<12x128xi32, #tpu.memory_space<hbm>>
      %dma_start3A_339 = arith.constant 0 : i32
      %dma_start3A_340 = arith.constant 0 : i32
      %dma_start3A_341 = tpu.memref_slice %arg2[%add3A, %dma_start3A_339, %dma_start3A_340] : memref<32x12x128xi32, #tpu.memory_space<hbm>> -> memref<1x12x128xi32, #tpu.memory_space<hbm>>
      %dma_start3A_342 = tpu.memref_squeeze %dma_start3A_341 : memref<1x12x128xi32, #tpu.memory_space<hbm>> -> memref<12x128xi32, #tpu.memory_space<hbm>>
      tpu.enqueue_dma source(%dma_start3A_342 : memref<12x128xi32, #tpu.memory_space<hbm>>) target(%arg5 : memref<12x128xi32, #tpu.memory_space<vmem>>) target_semaphore(%run_scoped3A : memref<!tpu.dma_semaphore, #tpu.memory_space<semaphore_mem>>)
      %dma_wait3A_343 = arith.constant 0 : i32
      %dma_wait3A_344 = arith.constant 0 : i32
      %dma_wait3A_345 = tpu.memref_slice %arg2[%add3A, %dma_wait3A_343, %dma_wait3A_344] : memref<32x12x128xi32, #tpu.memory_space<hbm>> -> memref<1x12x128xi32, #tpu.memory_space<hbm>>
      %dma_wait3A_346 = tpu.memref_squeeze %dma_wait3A_345 : memref<1x12x128xi32, #tpu.memory_space<hbm>> -> memref<12x128xi32, #tpu.memory_space<hbm>>
      %dma_wait3A_347 = arith.constant 0 : i32
      %dma_wait3A_348 = arith.constant 0 : i32
      %dma_wait3A_349 = tpu.memref_slice %arg2[%add3A, %dma_wait3A_347, %dma_wait3A_348] : memref<32x12x128xi32, #tpu.memory_space<hbm>> -> memref<1x12x128xi32, #tpu.memory_space<hbm>>
      %dma_wait3A_350 = tpu.memref_squeeze %dma_wait3A_349 : memref<1x12x128xi32, #tpu.memory_space<hbm>> -> memref<12x128xi32, #tpu.memory_space<hbm>>
      tpu.wait_dma2 semaphore(%run_scoped3A : memref<!tpu.dma_semaphore, #tpu.memory_space<semaphore_mem>>) src(%dma_wait3A_350 : memref<12x128xi32, #tpu.memory_space<hbm>>) dst(%arg5 : memref<12x128xi32, #tpu.memory_space<vmem>>)
      tpu.yield
    }) : () -> ()
    %dma_start3A = arith.constant 0 : i32
    %dma_start3A_1 = arith.constant 0 : i32
    %dma_start3A_2 = tpu.memref_slice %arg5[%dma_start3A, %dma_start3A_1] : memref<12x128xi32, #tpu.memory_space<vmem>> -> memref<1x128xi32, #tpu.memory_space<vmem>>
    %dma_start3A_3 = tpu.memref_squeeze %dma_start3A_2 : memref<1x128xi32, #tpu.memory_space<vmem>> -> memref<128xi32, #tpu.memory_space<vmem>>
    %dma_start3A_4 = arith.constant 0 : i32
    %dma_start3A_5 = arith.constant 0 : i32
    %dma_start3A_6 = tpu.memref_slice %arg3[%dma_start3A_4, %dma_start3A_5] : memref<507904x128xf32, #tpu.memory_space<hbm>> -> memref<507904x128xf32, #tpu.memory_space<hbm>>
    tpu.enqueue_indirect_dma source(%dma_start3A_6 : memref<507904x128xf32, #tpu.memory_space<hbm>>) target(%arg6 : memref<128x128xf32, #tpu.memory_space<vmem>>) offsets(%dma_start3A_3 : memref<128xi32, #tpu.memory_space<vmem>>) semaphore(%arg8 : memref<!tpu.dma_semaphore, #tpu.memory_space<semaphore_mem>>)
    %dma_wait3A = arith.constant 0 : i32
    %dma_wait3A_7 = arith.constant 0 : i32
    %dma_wait3A_8 = tpu.memref_slice %arg5[%dma_wait3A, %dma_wait3A_7] : memref<12x128xi32, #tpu.memory_space<vmem>> -> memref<1x128xi32, #tpu.memory_space<vmem>>
    %dma_wait3A_9 = tpu.memref_squeeze %dma_wait3A_8 : memref<1x128xi32, #tpu.memory_space<vmem>> -> memref<128xi32, #tpu.memory_space<vmem>>
    %dma_wait3A_10 = arith.constant 0 : i32
    %dma_wait3A_11 = arith.constant 0 : i32
    %dma_wait3A_12 = tpu.memref_slice %arg3[%dma_wait3A_10, %dma_wait3A_11] : memref<507904x128xf32, #tpu.memory_space<hbm>> -> memref<507904x128xf32, #tpu.memory_space<hbm>>
    tpu.wait_indirect_dma semaphore(%arg8 : memref<!tpu.dma_semaphore, #tpu.memory_space<semaphore_mem>>) src(%dma_wait3A_12 : memref<507904x128xf32, #tpu.memory_space<hbm>>) dst(%arg6 : memref<128x128xf32, #tpu.memory_space<vmem>>)
    %mul3A_13 = arith.constant 12 : i32
    %mul3A_14 = arith.muli %add3A, %mul3A_13 : i32
    %add3A_15 = arith.constant 0 : i32
    %add3A_16 = arith.addi %mul3A_14, %add3A_15 : i32
    %mul3A_17 = arith.constant 128 : i32
    %mul3A_18 = arith.muli %add3A_16, %mul3A_17 : i32
    %dma_start3A_19 = arith.constant 0 : i32
    %dma_start3A_20 = tpu.memref_slice %arg4[%mul3A_18, %dma_start3A_19] : memref<49152x128xf32, #tpu.memory_space<hbm>> -> memref<128x128xf32, #tpu.memory_space<hbm>>
    %dma_start3A_21 = arith.constant 0 : i32
    %dma_start3A_22 = tpu.memref_slice %arg4[%mul3A_18, %dma_start3A_21] : memref<49152x128xf32, #tpu.memory_space<hbm>> -> memref<128x128xf32, #tpu.memory_space<hbm>>
    tpu.enqueue_dma source(%arg6 : memref<128x128xf32, #tpu.memory_space<vmem>>) target(%dma_start3A_22 : memref<128x128xf32, #tpu.memory_space<hbm>>) target_semaphore(%arg10 : memref<!tpu.dma_semaphore, #tpu.memory_space<semaphore_mem>>)
    %dma_start3A_23 = arith.constant 1 : i32
    %dma_start3A_24 = arith.constant 0 : i32
    %dma_start3A_25 = tpu.memref_slice %arg5[%dma_start3A_23, %dma_start3A_24] : memref<12x128xi32, #tpu.memory_space<vmem>> -> memref<1x128xi32, #tpu.memory_space<vmem>>
    %dma_start3A_26 = tpu.memref_squeeze %dma_start3A_25 : memref<1x128xi32, #tpu.memory_space<vmem>> -> memref<128xi32, #tpu.memory_space<vmem>>
    %dma_start3A_27 = arith.constant 0 : i32
    %dma_start3A_28 = arith.constant 0 : i32
    %dma_start3A_29 = tpu.memref_slice %arg3[%dma_start3A_27, %dma_start3A_28] : memref<507904x128xf32, #tpu.memory_space<hbm>> -> memref<507904x128xf32, #tpu.memory_space<hbm>>
    tpu.enqueue_indirect_dma source(%dma_start3A_29 : memref<507904x128xf32, #tpu.memory_space<hbm>>) target(%arg7 : memref<128x128xf32, #tpu.memory_space<vmem>>) offsets(%dma_start3A_26 : memref<128xi32, #tpu.memory_space<vmem>>) semaphore(%arg9 : memref<!tpu.dma_semaphore, #tpu.memory_space<semaphore_mem>>)
    %dma_wait3A_30 = arith.constant 1 : i32
    %dma_wait3A_31 = arith.constant 0 : i32
    %dma_wait3A_32 = tpu.memref_slice %arg5[%dma_wait3A_30, %dma_wait3A_31] : memref<12x128xi32, #tpu.memory_space<vmem>> -> memref<1x128xi32, #tpu.memory_space<vmem>>
    %dma_wait3A_33 = tpu.memref_squeeze %dma_wait3A_32 : memref<1x128xi32, #tpu.memory_space<vmem>> -> memref<128xi32, #tpu.memory_space<vmem>>
    %dma_wait3A_34 = arith.constant 0 : i32
    %dma_wait3A_35 = arith.constant 0 : i32
    %dma_wait3A_36 = tpu.memref_slice %arg3[%dma_wait3A_34, %dma_wait3A_35] : memref<507904x128xf32, #tpu.memory_space<hbm>> -> memref<507904x128xf32, #tpu.memory_space<hbm>>
    tpu.wait_indirect_dma semaphore(%arg9 : memref<!tpu.dma_semaphore, #tpu.memory_space<semaphore_mem>>) src(%dma_wait3A_36 : memref<507904x128xf32, #tpu.memory_space<hbm>>) dst(%arg7 : memref<128x128xf32, #tpu.memory_space<vmem>>)
    %mul3A_37 = arith.constant 12 : i32
    %mul3A_38 = arith.muli %add3A, %mul3A_37 : i32
    %add3A_39 = arith.constant 1 : i32
    %add3A_40 = arith.addi %mul3A_38, %add3A_39 : i32
    %mul3A_41 = arith.constant 128 : i32
    %mul3A_42 = arith.muli %add3A_40, %mul3A_41 : i32
    %dma_start3A_43 = arith.constant 0 : i32
    %dma_start3A_44 = tpu.memref_slice %arg4[%mul3A_42, %dma_start3A_43] : memref<49152x128xf32, #tpu.memory_space<hbm>> -> memref<128x128xf32, #tpu.memory_space<hbm>>
    %dma_start3A_45 = arith.constant 0 : i32
    %dma_start3A_46 = tpu.memref_slice %arg4[%mul3A_42, %dma_start3A_45] : memref<49152x128xf32, #tpu.memory_space<hbm>> -> memref<128x128xf32, #tpu.memory_space<hbm>>
    tpu.enqueue_dma source(%arg7 : memref<128x128xf32, #tpu.memory_space<vmem>>) target(%dma_start3A_46 : memref<128x128xf32, #tpu.memory_space<hbm>>) target_semaphore(%arg11 : memref<!tpu.dma_semaphore, #tpu.memory_space<semaphore_mem>>)
    %dma_wait3A_47 = arith.constant 0 : i32
    %dma_wait3A_48 = tpu.memref_slice %arg4[%mul3A_18, %dma_wait3A_47] : memref<49152x128xf32, #tpu.memory_space<hbm>> -> memref<128x128xf32, #tpu.memory_space<hbm>>
    %dma_wait3A_49 = arith.constant 0 : i32
    %dma_wait3A_50 = tpu.memref_slice %arg4[%mul3A_18, %dma_wait3A_49] : memref<49152x128xf32, #tpu.memory_space<hbm>> -> memref<128x128xf32, #tpu.memory_space<hbm>>
    tpu.wait_dma2 semaphore(%arg10 : memref<!tpu.dma_semaphore, #tpu.memory_space<semaphore_mem>>) src(%arg6 : memref<128x128xf32, #tpu.memory_space<vmem>>) dst(%dma_wait3A_50 : memref<128x128xf32, #tpu.memory_space<hbm>>)
    %dma_start3A_51 = arith.constant 2 : i32
    %dma_start3A_52 = arith.constant 0 : i32
    %dma_start3A_53 = tpu.memref_slice %arg5[%dma_start3A_51, %dma_start3A_52] : memref<12x128xi32, #tpu.memory_space<vmem>> -> memref<1x128xi32, #tpu.memory_space<vmem>>
    %dma_start3A_54 = tpu.memref_squeeze %dma_start3A_53 : memref<1x128xi32, #tpu.memory_space<vmem>> -> memref<128xi32, #tpu.memory_space<vmem>>
    %dma_start3A_55 = arith.constant 0 : i32
    %dma_start3A_56 = arith.constant 0 : i32
    %dma_start3A_57 = tpu.memref_slice %arg3[%dma_start3A_55, %dma_start3A_56] : memref<507904x128xf32, #tpu.memory_space<hbm>> -> memref<507904x128xf32, #tpu.memory_space<hbm>>
    tpu.enqueue_indirect_dma source(%dma_start3A_57 : memref<507904x128xf32, #tpu.memory_space<hbm>>) target(%arg6 : memref<128x128xf32, #tpu.memory_space<vmem>>) offsets(%dma_start3A_54 : memref<128xi32, #tpu.memory_space<vmem>>) semaphore(%arg8 : memref<!tpu.dma_semaphore, #tpu.memory_space<semaphore_mem>>)
    %dma_wait3A_58 = arith.constant 2 : i32
    %dma_wait3A_59 = arith.constant 0 : i32
    %dma_wait3A_60 = tpu.memref_slice %arg5[%dma_wait3A_58, %dma_wait3A_59] : memref<12x128xi32, #tpu.memory_space<vmem>> -> memref<1x128xi32, #tpu.memory_space<vmem>>
    %dma_wait3A_61 = tpu.memref_squeeze %dma_wait3A_60 : memref<1x128xi32, #tpu.memory_space<vmem>> -> memref<128xi32, #tpu.memory_space<vmem>>
    %dma_wait3A_62 = arith.constant 0 : i32
    %dma_wait3A_63 = arith.constant 0 : i32
    %dma_wait3A_64 = tpu.memref_slice %arg3[%dma_wait3A_62, %dma_wait3A_63] : memref<507904x128xf32, #tpu.memory_space<hbm>> -> memref<507904x128xf32, #tpu.memory_space<hbm>>
    tpu.wait_indirect_dma semaphore(%arg8 : memref<!tpu.dma_semaphore, #tpu.memory_space<semaphore_mem>>) src(%dma_wait3A_64 : memref<507904x128xf32, #tpu.memory_space<hbm>>) dst(%arg6 : memref<128x128xf32, #tpu.memory_space<vmem>>)
    %mul3A_65 = arith.constant 12 : i32
    %mul3A_66 = arith.muli %add3A, %mul3A_65 : i32
    %add3A_67 = arith.constant 2 : i32
    %add3A_68 = arith.addi %mul3A_66, %add3A_67 : i32
    %mul3A_69 = arith.constant 128 : i32
    %mul3A_70 = arith.muli %add3A_68, %mul3A_69 : i32
    %dma_start3A_71 = arith.constant 0 : i32
    %dma_start3A_72 = tpu.memref_slice %arg4[%mul3A_70, %dma_start3A_71] : memref<49152x128xf32, #tpu.memory_space<hbm>> -> memref<128x128xf32, #tpu.memory_space<hbm>>
    %dma_start3A_73 = arith.constant 0 : i32
    %dma_start3A_74 = tpu.memref_slice %arg4[%mul3A_70, %dma_start3A_73] : memref<49152x128xf32, #tpu.memory_space<hbm>> -> memref<128x128xf32, #tpu.memory_space<hbm>>
    tpu.enqueue_dma source(%arg6 : memref<128x128xf32, #tpu.memory_space<vmem>>) target(%dma_start3A_74 : memref<128x128xf32, #tpu.memory_space<hbm>>) target_semaphore(%arg10 : memref<!tpu.dma_semaphore, #tpu.memory_space<semaphore_mem>>)
    %dma_wait3A_75 = arith.constant 0 : i32
    %dma_wait3A_76 = tpu.memref_slice %arg4[%mul3A_42, %dma_wait3A_75] : memref<49152x128xf32, #tpu.memory_space<hbm>> -> memref<128x128xf32, #tpu.memory_space<hbm>>
    %dma_wait3A_77 = arith.constant 0 : i32
    %dma_wait3A_78 = tpu.memref_slice %arg4[%mul3A_42, %dma_wait3A_77] : memref<49152x128xf32, #tpu.memory_space<hbm>> -> memref<128x128xf32, #tpu.memory_space<hbm>>
    tpu.wait_dma2 semaphore(%arg11 : memref<!tpu.dma_semaphore, #tpu.memory_space<semaphore_mem>>) src(%arg7 : memref<128x128xf32, #tpu.memory_space<vmem>>) dst(%dma_wait3A_78 : memref<128x128xf32, #tpu.memory_space<hbm>>)
    %dma_start3A_79 = arith.constant 3 : i32
    %dma_start3A_80 = arith.constant 0 : i32
    %dma_start3A_81 = tpu.memref_slice %arg5[%dma_start3A_79, %dma_start3A_80] : memref<12x128xi32, #tpu.memory_space<vmem>> -> memref<1x128xi32, #tpu.memory_space<vmem>>
    %dma_start3A_82 = tpu.memref_squeeze %dma_start3A_81 : memref<1x128xi32, #tpu.memory_space<vmem>> -> memref<128xi32, #tpu.memory_space<vmem>>
    %dma_start3A_83 = arith.constant 0 : i32
    %dma_start3A_84 = arith.constant 0 : i32
    %dma_start3A_85 = tpu.memref_slice %arg3[%dma_start3A_83, %dma_start3A_84] : memref<507904x128xf32, #tpu.memory_space<hbm>> -> memref<507904x128xf32, #tpu.memory_space<hbm>>
    tpu.enqueue_indirect_dma source(%dma_start3A_85 : memref<507904x128xf32, #tpu.memory_space<hbm>>) target(%arg7 : memref<128x128xf32, #tpu.memory_space<vmem>>) offsets(%dma_start3A_82 : memref<128xi32, #tpu.memory_space<vmem>>) semaphore(%arg9 : memref<!tpu.dma_semaphore, #tpu.memory_space<semaphore_mem>>)
    %dma_wait3A_86 = arith.constant 3 : i32
    %dma_wait3A_87 = arith.constant 0 : i32
    %dma_wait3A_88 = tpu.memref_slice %arg5[%dma_wait3A_86, %dma_wait3A_87] : memref<12x128xi32, #tpu.memory_space<vmem>> -> memref<1x128xi32, #tpu.memory_space<vmem>>
    %dma_wait3A_89 = tpu.memref_squeeze %dma_wait3A_88 : memref<1x128xi32, #tpu.memory_space<vmem>> -> memref<128xi32, #tpu.memory_space<vmem>>
    %dma_wait3A_90 = arith.constant 0 : i32
    %dma_wait3A_91 = arith.constant 0 : i32
    %dma_wait3A_92 = tpu.memref_slice %arg3[%dma_wait3A_90, %dma_wait3A_91] : memref<507904x128xf32, #tpu.memory_space<hbm>> -> memref<507904x128xf32, #tpu.memory_space<hbm>>
    tpu.wait_indirect_dma semaphore(%arg9 : memref<!tpu.dma_semaphore, #tpu.memory_space<semaphore_mem>>) src(%dma_wait3A_92 : memref<507904x128xf32, #tpu.memory_space<hbm>>) dst(%arg7 : memref<128x128xf32, #tpu.memory_space<vmem>>)
    %mul3A_93 = arith.constant 12 : i32
    %mul3A_94 = arith.muli %add3A, %mul3A_93 : i32
    %add3A_95 = arith.constant 3 : i32
    %add3A_96 = arith.addi %mul3A_94, %add3A_95 : i32
    %mul3A_97 = arith.constant 128 : i32
    %mul3A_98 = arith.muli %add3A_96, %mul3A_97 : i32
    %dma_start3A_99 = arith.constant 0 : i32
    %dma_start3A_100 = tpu.memref_slice %arg4[%mul3A_98, %dma_start3A_99] : memref<49152x128xf32, #tpu.memory_space<hbm>> -> memref<128x128xf32, #tpu.memory_space<hbm>>
    %dma_start3A_101 = arith.constant 0 : i32
    %dma_start3A_102 = tpu.memref_slice %arg4[%mul3A_98, %dma_start3A_101] : memref<49152x128xf32, #tpu.memory_space<hbm>> -> memref<128x128xf32, #tpu.memory_space<hbm>>
    tpu.enqueue_dma source(%arg7 : memref<128x128xf32, #tpu.memory_space<vmem>>) target(%dma_start3A_102 : memref<128x128xf32, #tpu.memory_space<hbm>>) target_semaphore(%arg11 : memref<!tpu.dma_semaphore, #tpu.memory_space<semaphore_mem>>)
    %dma_wait3A_103 = arith.constant 0 : i32
    %dma_wait3A_104 = tpu.memref_slice %arg4[%mul3A_70, %dma_wait3A_103] : memref<49152x128xf32, #tpu.memory_space<hbm>> -> memref<128x128xf32, #tpu.memory_space<hbm>>
    %dma_wait3A_105 = arith.constant 0 : i32
    %dma_wait3A_106 = tpu.memref_slice %arg4[%mul3A_70, %dma_wait3A_105] : memref<49152x128xf32, #tpu.memory_space<hbm>> -> memref<128x128xf32, #tpu.memory_space<hbm>>
    tpu.wait_dma2 semaphore(%arg10 : memref<!tpu.dma_semaphore, #tpu.memory_space<semaphore_mem>>) src(%arg6 : memref<128x128xf32, #tpu.memory_space<vmem>>) dst(%dma_wait3A_106 : memref<128x128xf32, #tpu.memory_space<hbm>>)
    %dma_start3A_107 = arith.constant 4 : i32
    %dma_start3A_108 = arith.constant 0 : i32
    %dma_start3A_109 = tpu.memref_slice %arg5[%dma_start3A_107, %dma_start3A_108] : memref<12x128xi32, #tpu.memory_space<vmem>> -> memref<1x128xi32, #tpu.memory_space<vmem>>
    %dma_start3A_110 = tpu.memref_squeeze %dma_start3A_109 : memref<1x128xi32, #tpu.memory_space<vmem>> -> memref<128xi32, #tpu.memory_space<vmem>>
    %dma_start3A_111 = arith.constant 0 : i32
    %dma_start3A_112 = arith.constant 0 : i32
    %dma_start3A_113 = tpu.memref_slice %arg3[%dma_start3A_111, %dma_start3A_112] : memref<507904x128xf32, #tpu.memory_space<hbm>> -> memref<507904x128xf32, #tpu.memory_space<hbm>>
    tpu.enqueue_indirect_dma source(%dma_start3A_113 : memref<507904x128xf32, #tpu.memory_space<hbm>>) target(%arg6 : memref<128x128xf32, #tpu.memory_space<vmem>>) offsets(%dma_start3A_110 : memref<128xi32, #tpu.memory_space<vmem>>) semaphore(%arg8 : memref<!tpu.dma_semaphore, #tpu.memory_space<semaphore_mem>>)
    %dma_wait3A_114 = arith.constant 4 : i32
    %dma_wait3A_115 = arith.constant 0 : i32
    %dma_wait3A_116 = tpu.memref_slice %arg5[%dma_wait3A_114, %dma_wait3A_115] : memref<12x128xi32, #tpu.memory_space<vmem>> -> memref<1x128xi32, #tpu.memory_space<vmem>>
    %dma_wait3A_117 = tpu.memref_squeeze %dma_wait3A_116 : memref<1x128xi32, #tpu.memory_space<vmem>> -> memref<128xi32, #tpu.memory_space<vmem>>
    %dma_wait3A_118 = arith.constant 0 : i32
    %dma_wait3A_119 = arith.constant 0 : i32
    %dma_wait3A_120 = tpu.memref_slice %arg3[%dma_wait3A_118, %dma_wait3A_119] : memref<507904x128xf32, #tpu.memory_space<hbm>> -> memref<507904x128xf32, #tpu.memory_space<hbm>>
    tpu.wait_indirect_dma semaphore(%arg8 : memref<!tpu.dma_semaphore, #tpu.memory_space<semaphore_mem>>) src(%dma_wait3A_120 : memref<507904x128xf32, #tpu.memory_space<hbm>>) dst(%arg6 : memref<128x128xf32, #tpu.memory_space<vmem>>)
    %mul3A_121 = arith.constant 12 : i32
    %mul3A_122 = arith.muli %add3A, %mul3A_121 : i32
    %add3A_123 = arith.constant 4 : i32
    %add3A_124 = arith.addi %mul3A_122, %add3A_123 : i32
    %mul3A_125 = arith.constant 128 : i32
    %mul3A_126 = arith.muli %add3A_124, %mul3A_125 : i32
    %dma_start3A_127 = arith.constant 0 : i32
    %dma_start3A_128 = tpu.memref_slice %arg4[%mul3A_126, %dma_start3A_127] : memref<49152x128xf32, #tpu.memory_space<hbm>> -> memref<128x128xf32, #tpu.memory_space<hbm>>
    %dma_start3A_129 = arith.constant 0 : i32
    %dma_start3A_130 = tpu.memref_slice %arg4[%mul3A_126, %dma_start3A_129] : memref<49152x128xf32, #tpu.memory_space<hbm>> -> memref<128x128xf32, #tpu.memory_space<hbm>>
    tpu.enqueue_dma source(%arg6 : memref<128x128xf32, #tpu.memory_space<vmem>>) target(%dma_start3A_130 : memref<128x128xf32, #tpu.memory_space<hbm>>) target_semaphore(%arg10 : memref<!tpu.dma_semaphore, #tpu.memory_space<semaphore_mem>>)
    %dma_wait3A_131 = arith.constant 0 : i32
    %dma_wait3A_132 = tpu.memref_slice %arg4[%mul3A_98, %dma_wait3A_131] : memref<49152x128xf32, #tpu.memory_space<hbm>> -> memref<128x128xf32, #tpu.memory_space<hbm>>
    %dma_wait3A_133 = arith.constant 0 : i32
    %dma_wait3A_134 = tpu.memref_slice %arg4[%mul3A_98, %dma_wait3A_133] : memref<49152x128xf32, #tpu.memory_space<hbm>> -> memref<128x128xf32, #tpu.memory_space<hbm>>
    tpu.wait_dma2 semaphore(%arg11 : memref<!tpu.dma_semaphore, #tpu.memory_space<semaphore_mem>>) src(%arg7 : memref<128x128xf32, #tpu.memory_space<vmem>>) dst(%dma_wait3A_134 : memref<128x128xf32, #tpu.memory_space<hbm>>)
    %dma_start3A_135 = arith.constant 5 : i32
    %dma_start3A_136 = arith.constant 0 : i32
    %dma_start3A_137 = tpu.memref_slice %arg5[%dma_start3A_135, %dma_start3A_136] : memref<12x128xi32, #tpu.memory_space<vmem>> -> memref<1x128xi32, #tpu.memory_space<vmem>>
    %dma_start3A_138 = tpu.memref_squeeze %dma_start3A_137 : memref<1x128xi32, #tpu.memory_space<vmem>> -> memref<128xi32, #tpu.memory_space<vmem>>
    %dma_start3A_139 = arith.constant 0 : i32
    %dma_start3A_140 = arith.constant 0 : i32
    %dma_start3A_141 = tpu.memref_slice %arg3[%dma_start3A_139, %dma_start3A_140] : memref<507904x128xf32, #tpu.memory_space<hbm>> -> memref<507904x128xf32, #tpu.memory_space<hbm>>
    tpu.enqueue_indirect_dma source(%dma_start3A_141 : memref<507904x128xf32, #tpu.memory_space<hbm>>) target(%arg7 : memref<128x128xf32, #tpu.memory_space<vmem>>) offsets(%dma_start3A_138 : memref<128xi32, #tpu.memory_space<vmem>>) semaphore(%arg9 : memref<!tpu.dma_semaphore, #tpu.memory_space<semaphore_mem>>)
    %dma_wait3A_142 = arith.constant 5 : i32
    %dma_wait3A_143 = arith.constant 0 : i32
    %dma_wait3A_144 = tpu.memref_slice %arg5[%dma_wait3A_142, %dma_wait3A_143] : memref<12x128xi32, #tpu.memory_space<vmem>> -> memref<1x128xi32, #tpu.memory_space<vmem>>
    %dma_wait3A_145 = tpu.memref_squeeze %dma_wait3A_144 : memref<1x128xi32, #tpu.memory_space<vmem>> -> memref<128xi32, #tpu.memory_space<vmem>>
    %dma_wait3A_146 = arith.constant 0 : i32
    %dma_wait3A_147 = arith.constant 0 : i32
    %dma_wait3A_148 = tpu.memref_slice %arg3[%dma_wait3A_146, %dma_wait3A_147] : memref<507904x128xf32, #tpu.memory_space<hbm>> -> memref<507904x128xf32, #tpu.memory_space<hbm>>
    tpu.wait_indirect_dma semaphore(%arg9 : memref<!tpu.dma_semaphore, #tpu.memory_space<semaphore_mem>>) src(%dma_wait3A_148 : memref<507904x128xf32, #tpu.memory_space<hbm>>) dst(%arg7 : memref<128x128xf32, #tpu.memory_space<vmem>>)
    %mul3A_149 = arith.constant 12 : i32
    %mul3A_150 = arith.muli %add3A, %mul3A_149 : i32
    %add3A_151 = arith.constant 5 : i32
    %add3A_152 = arith.addi %mul3A_150, %add3A_151 : i32
    %mul3A_153 = arith.constant 128 : i32
    %mul3A_154 = arith.muli %add3A_152, %mul3A_153 : i32
    %dma_start3A_155 = arith.constant 0 : i32
    %dma_start3A_156 = tpu.memref_slice %arg4[%mul3A_154, %dma_start3A_155] : memref<49152x128xf32, #tpu.memory_space<hbm>> -> memref<128x128xf32, #tpu.memory_space<hbm>>
    %dma_start3A_157 = arith.constant 0 : i32
    %dma_start3A_158 = tpu.memref_slice %arg4[%mul3A_154, %dma_start3A_157] : memref<49152x128xf32, #tpu.memory_space<hbm>> -> memref<128x128xf32, #tpu.memory_space<hbm>>
    tpu.enqueue_dma source(%arg7 : memref<128x128xf32, #tpu.memory_space<vmem>>) target(%dma_start3A_158 : memref<128x128xf32, #tpu.memory_space<hbm>>) target_semaphore(%arg11 : memref<!tpu.dma_semaphore, #tpu.memory_space<semaphore_mem>>)
    %dma_wait3A_159 = arith.constant 0 : i32
    %dma_wait3A_160 = tpu.memref_slice %arg4[%mul3A_126, %dma_wait3A_159] : memref<49152x128xf32, #tpu.memory_space<hbm>> -> memref<128x128xf32, #tpu.memory_space<hbm>>
    %dma_wait3A_161 = arith.constant 0 : i32
    %dma_wait3A_162 = tpu.memref_slice %arg4[%mul3A_126, %dma_wait3A_161] : memref<49152x128xf32, #tpu.memory_space<hbm>> -> memref<128x128xf32, #tpu.memory_space<hbm>>
    tpu.wait_dma2 semaphore(%arg10 : memref<!tpu.dma_semaphore, #tpu.memory_space<semaphore_mem>>) src(%arg6 : memref<128x128xf32, #tpu.memory_space<vmem>>) dst(%dma_wait3A_162 : memref<128x128xf32, #tpu.memory_space<hbm>>)
    %dma_start3A_163 = arith.constant 6 : i32
    %dma_start3A_164 = arith.constant 0 : i32
    %dma_start3A_165 = tpu.memref_slice %arg5[%dma_start3A_163, %dma_start3A_164] : memref<12x128xi32, #tpu.memory_space<vmem>> -> memref<1x128xi32, #tpu.memory_space<vmem>>
    %dma_start3A_166 = tpu.memref_squeeze %dma_start3A_165 : memref<1x128xi32, #tpu.memory_space<vmem>> -> memref<128xi32, #tpu.memory_space<vmem>>
    %dma_start3A_167 = arith.constant 0 : i32
    %dma_start3A_168 = arith.constant 0 : i32
    %dma_start3A_169 = tpu.memref_slice %arg3[%dma_start3A_167, %dma_start3A_168] : memref<507904x128xf32, #tpu.memory_space<hbm>> -> memref<507904x128xf32, #tpu.memory_space<hbm>>
    tpu.enqueue_indirect_dma source(%dma_start3A_169 : memref<507904x128xf32, #tpu.memory_space<hbm>>) target(%arg6 : memref<128x128xf32, #tpu.memory_space<vmem>>) offsets(%dma_start3A_166 : memref<128xi32, #tpu.memory_space<vmem>>) semaphore(%arg8 : memref<!tpu.dma_semaphore, #tpu.memory_space<semaphore_mem>>)
    %dma_wait3A_170 = arith.constant 6 : i32
    %dma_wait3A_171 = arith.constant 0 : i32
    %dma_wait3A_172 = tpu.memref_slice %arg5[%dma_wait3A_170, %dma_wait3A_171] : memref<12x128xi32, #tpu.memory_space<vmem>> -> memref<1x128xi32, #tpu.memory_space<vmem>>
    %dma_wait3A_173 = tpu.memref_squeeze %dma_wait3A_172 : memref<1x128xi32, #tpu.memory_space<vmem>> -> memref<128xi32, #tpu.memory_space<vmem>>
    %dma_wait3A_174 = arith.constant 0 : i32
    %dma_wait3A_175 = arith.constant 0 : i32
    %dma_wait3A_176 = tpu.memref_slice %arg3[%dma_wait3A_174, %dma_wait3A_175] : memref<507904x128xf32, #tpu.memory_space<hbm>> -> memref<507904x128xf32, #tpu.memory_space<hbm>>
    tpu.wait_indirect_dma semaphore(%arg8 : memref<!tpu.dma_semaphore, #tpu.memory_space<semaphore_mem>>) src(%dma_wait3A_176 : memref<507904x128xf32, #tpu.memory_space<hbm>>) dst(%arg6 : memref<128x128xf32, #tpu.memory_space<vmem>>)
    %mul3A_177 = arith.constant 12 : i32
    %mul3A_178 = arith.muli %add3A, %mul3A_177 : i32
    %add3A_179 = arith.constant 6 : i32
    %add3A_180 = arith.addi %mul3A_178, %add3A_179 : i32
    %mul3A_181 = arith.constant 128 : i32
    %mul3A_182 = arith.muli %add3A_180, %mul3A_181 : i32
    %dma_start3A_183 = arith.constant 0 : i32
    %dma_start3A_184 = tpu.memref_slice %arg4[%mul3A_182, %dma_start3A_183] : memref<49152x128xf32, #tpu.memory_space<hbm>> -> memref<128x128xf32, #tpu.memory_space<hbm>>
    %dma_start3A_185 = arith.constant 0 : i32
    %dma_start3A_186 = tpu.memref_slice %arg4[%mul3A_182, %dma_start3A_185] : memref<49152x128xf32, #tpu.memory_space<hbm>> -> memref<128x128xf32, #tpu.memory_space<hbm>>
    tpu.enqueue_dma source(%arg6 : memref<128x128xf32, #tpu.memory_space<vmem>>) target(%dma_start3A_186 : memref<128x128xf32, #tpu.memory_space<hbm>>) target_semaphore(%arg10 : memref<!tpu.dma_semaphore, #tpu.memory_space<semaphore_mem>>)
    %dma_wait3A_187 = arith.constant 0 : i32
    %dma_wait3A_188 = tpu.memref_slice %arg4[%mul3A_154, %dma_wait3A_187] : memref<49152x128xf32, #tpu.memory_space<hbm>> -> memref<128x128xf32, #tpu.memory_space<hbm>>
    %dma_wait3A_189 = arith.constant 0 : i32
    %dma_wait3A_190 = tpu.memref_slice %arg4[%mul3A_154, %dma_wait3A_189] : memref<49152x128xf32, #tpu.memory_space<hbm>> -> memref<128x128xf32, #tpu.memory_space<hbm>>
    tpu.wait_dma2 semaphore(%arg11 : memref<!tpu.dma_semaphore, #tpu.memory_space<semaphore_mem>>) src(%arg7 : memref<128x128xf32, #tpu.memory_space<vmem>>) dst(%dma_wait3A_190 : memref<128x128xf32, #tpu.memory_space<hbm>>)
    %dma_start3A_191 = arith.constant 7 : i32
    %dma_start3A_192 = arith.constant 0 : i32
    %dma_start3A_193 = tpu.memref_slice %arg5[%dma_start3A_191, %dma_start3A_192] : memref<12x128xi32, #tpu.memory_space<vmem>> -> memref<1x128xi32, #tpu.memory_space<vmem>>
    %dma_start3A_194 = tpu.memref_squeeze %dma_start3A_193 : memref<1x128xi32, #tpu.memory_space<vmem>> -> memref<128xi32, #tpu.memory_space<vmem>>
    %dma_start3A_195 = arith.constant 0 : i32
    %dma_start3A_196 = arith.constant 0 : i32
    %dma_start3A_197 = tpu.memref_slice %arg3[%dma_start3A_195, %dma_start3A_196] : memref<507904x128xf32, #tpu.memory_space<hbm>> -> memref<507904x128xf32, #tpu.memory_space<hbm>>
    tpu.enqueue_indirect_dma source(%dma_start3A_197 : memref<507904x128xf32, #tpu.memory_space<hbm>>) target(%arg7 : memref<128x128xf32, #tpu.memory_space<vmem>>) offsets(%dma_start3A_194 : memref<128xi32, #tpu.memory_space<vmem>>) semaphore(%arg9 : memref<!tpu.dma_semaphore, #tpu.memory_space<semaphore_mem>>)
    %dma_wait3A_198 = arith.constant 7 : i32
    %dma_wait3A_199 = arith.constant 0 : i32
    %dma_wait3A_200 = tpu.memref_slice %arg5[%dma_wait3A_198, %dma_wait3A_199] : memref<12x128xi32, #tpu.memory_space<vmem>> -> memref<1x128xi32, #tpu.memory_space<vmem>>
    %dma_wait3A_201 = tpu.memref_squeeze %dma_wait3A_200 : memref<1x128xi32, #tpu.memory_space<vmem>> -> memref<128xi32, #tpu.memory_space<vmem>>
    %dma_wait3A_202 = arith.constant 0 : i32
    %dma_wait3A_203 = arith.constant 0 : i32
    %dma_wait3A_204 = tpu.memref_slice %arg3[%dma_wait3A_202, %dma_wait3A_203] : memref<507904x128xf32, #tpu.memory_space<hbm>> -> memref<507904x128xf32, #tpu.memory_space<hbm>>
    tpu.wait_indirect_dma semaphore(%arg9 : memref<!tpu.dma_semaphore, #tpu.memory_space<semaphore_mem>>) src(%dma_wait3A_204 : memref<507904x128xf32, #tpu.memory_space<hbm>>) dst(%arg7 : memref<128x128xf32, #tpu.memory_space<vmem>>)
    %mul3A_205 = arith.constant 12 : i32
    %mul3A_206 = arith.muli %add3A, %mul3A_205 : i32
    %add3A_207 = arith.constant 7 : i32
    %add3A_208 = arith.addi %mul3A_206, %add3A_207 : i32
    %mul3A_209 = arith.constant 128 : i32
    %mul3A_210 = arith.muli %add3A_208, %mul3A_209 : i32
    %dma_start3A_211 = arith.constant 0 : i32
    %dma_start3A_212 = tpu.memref_slice %arg4[%mul3A_210, %dma_start3A_211] : memref<49152x128xf32, #tpu.memory_space<hbm>> -> memref<128x128xf32, #tpu.memory_space<hbm>>
    %dma_start3A_213 = arith.constant 0 : i32
    %dma_start3A_214 = tpu.memref_slice %arg4[%mul3A_210, %dma_start3A_213] : memref<49152x128xf32, #tpu.memory_space<hbm>> -> memref<128x128xf32, #tpu.memory_space<hbm>>
    tpu.enqueue_dma source(%arg7 : memref<128x128xf32, #tpu.memory_space<vmem>>) target(%dma_start3A_214 : memref<128x128xf32, #tpu.memory_space<hbm>>) target_semaphore(%arg11 : memref<!tpu.dma_semaphore, #tpu.memory_space<semaphore_mem>>)
    %dma_wait3A_215 = arith.constant 0 : i32
    %dma_wait3A_216 = tpu.memref_slice %arg4[%mul3A_182, %dma_wait3A_215] : memref<49152x128xf32, #tpu.memory_space<hbm>> -> memref<128x128xf32, #tpu.memory_space<hbm>>
    %dma_wait3A_217 = arith.constant 0 : i32
    %dma_wait3A_218 = tpu.memref_slice %arg4[%mul3A_182, %dma_wait3A_217] : memref<49152x128xf32, #tpu.memory_space<hbm>> -> memref<128x128xf32, #tpu.memory_space<hbm>>
    tpu.wait_dma2 semaphore(%arg10 : memref<!tpu.dma_semaphore, #tpu.memory_space<semaphore_mem>>) src(%arg6 : memref<128x128xf32, #tpu.memory_space<vmem>>) dst(%dma_wait3A_218 : memref<128x128xf32, #tpu.memory_space<hbm>>)
    %dma_start3A_219 = arith.constant 8 : i32
    %dma_start3A_220 = arith.constant 0 : i32
    %dma_start3A_221 = tpu.memref_slice %arg5[%dma_start3A_219, %dma_start3A_220] : memref<12x128xi32, #tpu.memory_space<vmem>> -> memref<1x128xi32, #tpu.memory_space<vmem>>
    %dma_start3A_222 = tpu.memref_squeeze %dma_start3A_221 : memref<1x128xi32, #tpu.memory_space<vmem>> -> memref<128xi32, #tpu.memory_space<vmem>>
    %dma_start3A_223 = arith.constant 0 : i32
    %dma_start3A_224 = arith.constant 0 : i32
    %dma_start3A_225 = tpu.memref_slice %arg3[%dma_start3A_223, %dma_start3A_224] : memref<507904x128xf32, #tpu.memory_space<hbm>> -> memref<507904x128xf32, #tpu.memory_space<hbm>>
    tpu.enqueue_indirect_dma source(%dma_start3A_225 : memref<507904x128xf32, #tpu.memory_space<hbm>>) target(%arg6 : memref<128x128xf32, #tpu.memory_space<vmem>>) offsets(%dma_start3A_222 : memref<128xi32, #tpu.memory_space<vmem>>) semaphore(%arg8 : memref<!tpu.dma_semaphore, #tpu.memory_space<semaphore_mem>>)
    %dma_wait3A_226 = arith.constant 8 : i32
    %dma_wait3A_227 = arith.constant 0 : i32
    %dma_wait3A_228 = tpu.memref_slice %arg5[%dma_wait3A_226, %dma_wait3A_227] : memref<12x128xi32, #tpu.memory_space<vmem>> -> memref<1x128xi32, #tpu.memory_space<vmem>>
    %dma_wait3A_229 = tpu.memref_squeeze %dma_wait3A_228 : memref<1x128xi32, #tpu.memory_space<vmem>> -> memref<128xi32, #tpu.memory_space<vmem>>
    %dma_wait3A_230 = arith.constant 0 : i32
    %dma_wait3A_231 = arith.constant 0 : i32
    %dma_wait3A_232 = tpu.memref_slice %arg3[%dma_wait3A_230, %dma_wait3A_231] : memref<507904x128xf32, #tpu.memory_space<hbm>> -> memref<507904x128xf32, #tpu.memory_space<hbm>>
    tpu.wait_indirect_dma semaphore(%arg8 : memref<!tpu.dma_semaphore, #tpu.memory_space<semaphore_mem>>) src(%dma_wait3A_232 : memref<507904x128xf32, #tpu.memory_space<hbm>>) dst(%arg6 : memref<128x128xf32, #tpu.memory_space<vmem>>)
    %mul3A_233 = arith.constant 12 : i32
    %mul3A_234 = arith.muli %add3A, %mul3A_233 : i32
    %add3A_235 = arith.constant 8 : i32
    %add3A_236 = arith.addi %mul3A_234, %add3A_235 : i32
    %mul3A_237 = arith.constant 128 : i32
    %mul3A_238 = arith.muli %add3A_236, %mul3A_237 : i32
    %dma_start3A_239 = arith.constant 0 : i32
    %dma_start3A_240 = tpu.memref_slice %arg4[%mul3A_238, %dma_start3A_239] : memref<49152x128xf32, #tpu.memory_space<hbm>> -> memref<128x128xf32, #tpu.memory_space<hbm>>
    %dma_start3A_241 = arith.constant 0 : i32
    %dma_start3A_242 = tpu.memref_slice %arg4[%mul3A_238, %dma_start3A_241] : memref<49152x128xf32, #tpu.memory_space<hbm>> -> memref<128x128xf32, #tpu.memory_space<hbm>>
    tpu.enqueue_dma source(%arg6 : memref<128x128xf32, #tpu.memory_space<vmem>>) target(%dma_start3A_242 : memref<128x128xf32, #tpu.memory_space<hbm>>) target_semaphore(%arg10 : memref<!tpu.dma_semaphore, #tpu.memory_space<semaphore_mem>>)
    %dma_wait3A_243 = arith.constant 0 : i32
    %dma_wait3A_244 = tpu.memref_slice %arg4[%mul3A_210, %dma_wait3A_243] : memref<49152x128xf32, #tpu.memory_space<hbm>> -> memref<128x128xf32, #tpu.memory_space<hbm>>
    %dma_wait3A_245 = arith.constant 0 : i32
    %dma_wait3A_246 = tpu.memref_slice %arg4[%mul3A_210, %dma_wait3A_245] : memref<49152x128xf32, #tpu.memory_space<hbm>> -> memref<128x128xf32, #tpu.memory_space<hbm>>
    tpu.wait_dma2 semaphore(%arg11 : memref<!tpu.dma_semaphore, #tpu.memory_space<semaphore_mem>>) src(%arg7 : memref<128x128xf32, #tpu.memory_space<vmem>>) dst(%dma_wait3A_246 : memref<128x128xf32, #tpu.memory_space<hbm>>)
    %dma_start3A_247 = arith.constant 9 : i32
    %dma_start3A_248 = arith.constant 0 : i32
    %dma_start3A_249 = tpu.memref_slice %arg5[%dma_start3A_247, %dma_start3A_248] : memref<12x128xi32, #tpu.memory_space<vmem>> -> memref<1x128xi32, #tpu.memory_space<vmem>>
    %dma_start3A_250 = tpu.memref_squeeze %dma_start3A_249 : memref<1x128xi32, #tpu.memory_space<vmem>> -> memref<128xi32, #tpu.memory_space<vmem>>
    %dma_start3A_251 = arith.constant 0 : i32
    %dma_start3A_252 = arith.constant 0 : i32
    %dma_start3A_253 = tpu.memref_slice %arg3[%dma_start3A_251, %dma_start3A_252] : memref<507904x128xf32, #tpu.memory_space<hbm>> -> memref<507904x128xf32, #tpu.memory_space<hbm>>
    tpu.enqueue_indirect_dma source(%dma_start3A_253 : memref<507904x128xf32, #tpu.memory_space<hbm>>) target(%arg7 : memref<128x128xf32, #tpu.memory_space<vmem>>) offsets(%dma_start3A_250 : memref<128xi32, #tpu.memory_space<vmem>>) semaphore(%arg9 : memref<!tpu.dma_semaphore, #tpu.memory_space<semaphore_mem>>)
    %dma_wait3A_254 = arith.constant 9 : i32
    %dma_wait3A_255 = arith.constant 0 : i32
    %dma_wait3A_256 = tpu.memref_slice %arg5[%dma_wait3A_254, %dma_wait3A_255] : memref<12x128xi32, #tpu.memory_space<vmem>> -> memref<1x128xi32, #tpu.memory_space<vmem>>
    %dma_wait3A_257 = tpu.memref_squeeze %dma_wait3A_256 : memref<1x128xi32, #tpu.memory_space<vmem>> -> memref<128xi32, #tpu.memory_space<vmem>>
    %dma_wait3A_258 = arith.constant 0 : i32
    %dma_wait3A_259 = arith.constant 0 : i32
    %dma_wait3A_260 = tpu.memref_slice %arg3[%dma_wait3A_258, %dma_wait3A_259] : memref<507904x128xf32, #tpu.memory_space<hbm>> -> memref<507904x128xf32, #tpu.memory_space<hbm>>
    tpu.wait_indirect_dma semaphore(%arg9 : memref<!tpu.dma_semaphore, #tpu.memory_space<semaphore_mem>>) src(%dma_wait3A_260 : memref<507904x128xf32, #tpu.memory_space<hbm>>) dst(%arg7 : memref<128x128xf32, #tpu.memory_space<vmem>>)
    %mul3A_261 = arith.constant 12 : i32
    %mul3A_262 = arith.muli %add3A, %mul3A_261 : i32
    %add3A_263 = arith.constant 9 : i32
    %add3A_264 = arith.addi %mul3A_262, %add3A_263 : i32
    %mul3A_265 = arith.constant 128 : i32
    %mul3A_266 = arith.muli %add3A_264, %mul3A_265 : i32
    %dma_start3A_267 = arith.constant 0 : i32
    %dma_start3A_268 = tpu.memref_slice %arg4[%mul3A_266, %dma_start3A_267] : memref<49152x128xf32, #tpu.memory_space<hbm>> -> memref<128x128xf32, #tpu.memory_space<hbm>>
    %dma_start3A_269 = arith.constant 0 : i32
    %dma_start3A_270 = tpu.memref_slice %arg4[%mul3A_266, %dma_start3A_269] : memref<49152x128xf32, #tpu.memory_space<hbm>> -> memref<128x128xf32, #tpu.memory_space<hbm>>
    tpu.enqueue_dma source(%arg7 : memref<128x128xf32, #tpu.memory_space<vmem>>) target(%dma_start3A_270 : memref<128x128xf32, #tpu.memory_space<hbm>>) target_semaphore(%arg11 : memref<!tpu.dma_semaphore, #tpu.memory_space<semaphore_mem>>)
    %dma_wait3A_271 = arith.constant 0 : i32
    %dma_wait3A_272 = tpu.memref_slice %arg4[%mul3A_238, %dma_wait3A_271] : memref<49152x128xf32, #tpu.memory_space<hbm>> -> memref<128x128xf32, #tpu.memory_space<hbm>>
    %dma_wait3A_273 = arith.constant 0 : i32
    %dma_wait3A_274 = tpu.memref_slice %arg4[%mul3A_238, %dma_wait3A_273] : memref<49152x128xf32, #tpu.memory_space<hbm>> -> memref<128x128xf32, #tpu.memory_space<hbm>>
    tpu.wait_dma2 semaphore(%arg10 : memref<!tpu.dma_semaphore, #tpu.memory_space<semaphore_mem>>) src(%arg6 : memref<128x128xf32, #tpu.memory_space<vmem>>) dst(%dma_wait3A_274 : memref<128x128xf32, #tpu.memory_space<hbm>>)
    %dma_start3A_275 = arith.constant 10 : i32
    %dma_start3A_276 = arith.constant 0 : i32
    %dma_start3A_277 = tpu.memref_slice %arg5[%dma_start3A_275, %dma_start3A_276] : memref<12x128xi32, #tpu.memory_space<vmem>> -> memref<1x128xi32, #tpu.memory_space<vmem>>
    %dma_start3A_278 = tpu.memref_squeeze %dma_start3A_277 : memref<1x128xi32, #tpu.memory_space<vmem>> -> memref<128xi32, #tpu.memory_space<vmem>>
    %dma_start3A_279 = arith.constant 0 : i32
    %dma_start3A_280 = arith.constant 0 : i32
    %dma_start3A_281 = tpu.memref_slice %arg3[%dma_start3A_279, %dma_start3A_280] : memref<507904x128xf32, #tpu.memory_space<hbm>> -> memref<507904x128xf32, #tpu.memory_space<hbm>>
    tpu.enqueue_indirect_dma source(%dma_start3A_281 : memref<507904x128xf32, #tpu.memory_space<hbm>>) target(%arg6 : memref<128x128xf32, #tpu.memory_space<vmem>>) offsets(%dma_start3A_278 : memref<128xi32, #tpu.memory_space<vmem>>) semaphore(%arg8 : memref<!tpu.dma_semaphore, #tpu.memory_space<semaphore_mem>>)
    %dma_wait3A_282 = arith.constant 10 : i32
    %dma_wait3A_283 = arith.constant 0 : i32
    %dma_wait3A_284 = tpu.memref_slice %arg5[%dma_wait3A_282, %dma_wait3A_283] : memref<12x128xi32, #tpu.memory_space<vmem>> -> memref<1x128xi32, #tpu.memory_space<vmem>>
    %dma_wait3A_285 = tpu.memref_squeeze %dma_wait3A_284 : memref<1x128xi32, #tpu.memory_space<vmem>> -> memref<128xi32, #tpu.memory_space<vmem>>
    %dma_wait3A_286 = arith.constant 0 : i32
    %dma_wait3A_287 = arith.constant 0 : i32
    %dma_wait3A_288 = tpu.memref_slice %arg3[%dma_wait3A_286, %dma_wait3A_287] : memref<507904x128xf32, #tpu.memory_space<hbm>> -> memref<507904x128xf32, #tpu.memory_space<hbm>>
    tpu.wait_indirect_dma semaphore(%arg8 : memref<!tpu.dma_semaphore, #tpu.memory_space<semaphore_mem>>) src(%dma_wait3A_288 : memref<507904x128xf32, #tpu.memory_space<hbm>>) dst(%arg6 : memref<128x128xf32, #tpu.memory_space<vmem>>)
    %mul3A_289 = arith.constant 12 : i32
    %mul3A_290 = arith.muli %add3A, %mul3A_289 : i32
    %add3A_291 = arith.constant 10 : i32
    %add3A_292 = arith.addi %mul3A_290, %add3A_291 : i32
    %mul3A_293 = arith.constant 128 : i32
    %mul3A_294 = arith.muli %add3A_292, %mul3A_293 : i32
    %dma_start3A_295 = arith.constant 0 : i32
    %dma_start3A_296 = tpu.memref_slice %arg4[%mul3A_294, %dma_start3A_295] : memref<49152x128xf32, #tpu.memory_space<hbm>> -> memref<128x128xf32, #tpu.memory_space<hbm>>
    %dma_start3A_297 = arith.constant 0 : i32
    %dma_start3A_298 = tpu.memref_slice %arg4[%mul3A_294, %dma_start3A_297] : memref<49152x128xf32, #tpu.memory_space<hbm>> -> memref<128x128xf32, #tpu.memory_space<hbm>>
    tpu.enqueue_dma source(%arg6 : memref<128x128xf32, #tpu.memory_space<vmem>>) target(%dma_start3A_298 : memref<128x128xf32, #tpu.memory_space<hbm>>) target_semaphore(%arg10 : memref<!tpu.dma_semaphore, #tpu.memory_space<semaphore_mem>>)
    %dma_wait3A_299 = arith.constant 0 : i32
    %dma_wait3A_300 = tpu.memref_slice %arg4[%mul3A_266, %dma_wait3A_299] : memref<49152x128xf32, #tpu.memory_space<hbm>> -> memref<128x128xf32, #tpu.memory_space<hbm>>
    %dma_wait3A_301 = arith.constant 0 : i32
    %dma_wait3A_302 = tpu.memref_slice %arg4[%mul3A_266, %dma_wait3A_301] : memref<49152x128xf32, #tpu.memory_space<hbm>> -> memref<128x128xf32, #tpu.memory_space<hbm>>
    tpu.wait_dma2 semaphore(%arg11 : memref<!tpu.dma_semaphore, #tpu.memory_space<semaphore_mem>>) src(%arg7 : memref<128x128xf32, #tpu.memory_space<vmem>>) dst(%dma_wait3A_302 : memref<128x128xf32, #tpu.memory_space<hbm>>)
    %dma_start3A_303 = arith.constant 11 : i32
    %dma_start3A_304 = arith.constant 0 : i32
    %dma_start3A_305 = tpu.memref_slice %arg5[%dma_start3A_303, %dma_start3A_304] : memref<12x128xi32, #tpu.memory_space<vmem>> -> memref<1x128xi32, #tpu.memory_space<vmem>>
    %dma_start3A_306 = tpu.memref_squeeze %dma_start3A_305 : memref<1x128xi32, #tpu.memory_space<vmem>> -> memref<128xi32, #tpu.memory_space<vmem>>
    %dma_start3A_307 = arith.constant 0 : i32
    %dma_start3A_308 = arith.constant 0 : i32
    %dma_start3A_309 = tpu.memref_slice %arg3[%dma_start3A_307, %dma_start3A_308] : memref<507904x128xf32, #tpu.memory_space<hbm>> -> memref<507904x128xf32, #tpu.memory_space<hbm>>
    tpu.enqueue_indirect_dma source(%dma_start3A_309 : memref<507904x128xf32, #tpu.memory_space<hbm>>) target(%arg7 : memref<128x128xf32, #tpu.memory_space<vmem>>) offsets(%dma_start3A_306 : memref<128xi32, #tpu.memory_space<vmem>>) semaphore(%arg9 : memref<!tpu.dma_semaphore, #tpu.memory_space<semaphore_mem>>)
    %dma_wait3A_310 = arith.constant 11 : i32
    %dma_wait3A_311 = arith.constant 0 : i32
    %dma_wait3A_312 = tpu.memref_slice %arg5[%dma_wait3A_310, %dma_wait3A_311] : memref<12x128xi32, #tpu.memory_space<vmem>> -> memref<1x128xi32, #tpu.memory_space<vmem>>
    %dma_wait3A_313 = tpu.memref_squeeze %dma_wait3A_312 : memref<1x128xi32, #tpu.memory_space<vmem>> -> memref<128xi32, #tpu.memory_space<vmem>>
    %dma_wait3A_314 = arith.constant 0 : i32
    %dma_wait3A_315 = arith.constant 0 : i32
    %dma_wait3A_316 = tpu.memref_slice %arg3[%dma_wait3A_314, %dma_wait3A_315] : memref<507904x128xf32, #tpu.memory_space<hbm>> -> memref<507904x128xf32, #tpu.memory_space<hbm>>
    tpu.wait_indirect_dma semaphore(%arg9 : memref<!tpu.dma_semaphore, #tpu.memory_space<semaphore_mem>>) src(%dma_wait3A_316 : memref<507904x128xf32, #tpu.memory_space<hbm>>) dst(%arg7 : memref<128x128xf32, #tpu.memory_space<vmem>>)
    %mul3A_317 = arith.constant 12 : i32
    %mul3A_318 = arith.muli %add3A, %mul3A_317 : i32
    %add3A_319 = arith.constant 11 : i32
    %add3A_320 = arith.addi %mul3A_318, %add3A_319 : i32
    %mul3A_321 = arith.constant 128 : i32
    %mul3A_322 = arith.muli %add3A_320, %mul3A_321 : i32
    %dma_start3A_323 = arith.constant 0 : i32
    %dma_start3A_324 = tpu.memref_slice %arg4[%mul3A_322, %dma_start3A_323] : memref<49152x128xf32, #tpu.memory_space<hbm>> -> memref<128x128xf32, #tpu.memory_space<hbm>>
    %dma_start3A_325 = arith.constant 0 : i32
    %dma_start3A_326 = tpu.memref_slice %arg4[%mul3A_322, %dma_start3A_325] : memref<49152x128xf32, #tpu.memory_space<hbm>> -> memref<128x128xf32, #tpu.memory_space<hbm>>
    tpu.enqueue_dma source(%arg7 : memref<128x128xf32, #tpu.memory_space<vmem>>) target(%dma_start3A_326 : memref<128x128xf32, #tpu.memory_space<hbm>>) target_semaphore(%arg11 : memref<!tpu.dma_semaphore, #tpu.memory_space<semaphore_mem>>)
    %dma_wait3A_327 = arith.constant 0 : i32
    %dma_wait3A_328 = tpu.memref_slice %arg4[%mul3A_294, %dma_wait3A_327] : memref<49152x128xf32, #tpu.memory_space<hbm>> -> memref<128x128xf32, #tpu.memory_space<hbm>>
    %dma_wait3A_329 = arith.constant 0 : i32
    %dma_wait3A_330 = tpu.memref_slice %arg4[%mul3A_294, %dma_wait3A_329] : memref<49152x128xf32, #tpu.memory_space<hbm>> -> memref<128x128xf32, #tpu.memory_space<hbm>>
    tpu.wait_dma2 semaphore(%arg10 : memref<!tpu.dma_semaphore, #tpu.memory_space<semaphore_mem>>) src(%arg6 : memref<128x128xf32, #tpu.memory_space<vmem>>) dst(%dma_wait3A_330 : memref<128x128xf32, #tpu.memory_space<hbm>>)
    %dma_wait3A_331 = arith.constant 0 : i32
    %dma_wait3A_332 = tpu.memref_slice %arg4[%mul3A_322, %dma_wait3A_331] : memref<49152x128xf32, #tpu.memory_space<hbm>> -> memref<128x128xf32, #tpu.memory_space<hbm>>
    %dma_wait3A_333 = arith.constant 0 : i32
    %dma_wait3A_334 = tpu.memref_slice %arg4[%mul3A_322, %dma_wait3A_333] : memref<49152x128xf32, #tpu.memory_space<hbm>> -> memref<128x128xf32, #tpu.memory_space<hbm>>
    tpu.wait_dma2 semaphore(%arg11 : memref<!tpu.dma_semaphore, #tpu.memory_space<semaphore_mem>>) src(%arg7 : memref<128x128xf32, #tpu.memory_space<vmem>>) dst(%dma_wait3A_334 : memref<128x128xf32, #tpu.memory_space<hbm>>)
    return
  }
}

module attributes {stable_mosaic.version = 14 : i64} {
  func.func @_tp_body(%arg0: i32, %arg1: memref<64x16384xf32, #tpu.memory_space<vmem>>, %arg2: memref<64x16384xf32, #tpu.memory_space<vmem>>, %arg3: memref<64x64xf32, #tpu.memory_space<vmem>>, %arg4: memref<16384x128xf32, #tpu.memory_space<vmem>>) attributes {dimension_semantics = [#tpu.dimension_semantics<arbitrary>], iteration_bounds = array<i64: 31>, scalar_prefetch = 0 : i64, scratch_operands = 0 : i64, tpu.core_type = #tpu.core_type<tc>, window_params = [{transform_indices = @transform_0, window_bounds = array<i64: 64, 16384>}, {transform_indices = @transform_1, window_bounds = array<i64: 64, 16384>}, {pipeline_mode = #tpu.pipeline_mode<synchronous>, transform_indices = @transform_2, window_bounds = array<i64: 64, 64>}, {transform_indices = @transform_3, window_bounds = array<i64: 16384, 128>}]} {
    %get3A = arith.constant 0 : index
    %get3A_0 = arith.constant 0 : index
    %get3A_1 = vector.load %arg1[%get3A, %get3A_0] : memref<64x16384xf32, #tpu.memory_space<vmem>>, vector<64x16384xf32>
    %get3A_2 = arith.constant 0 : index
    %get3A_3 = arith.constant 0 : index
    %get3A_4 = vector.load %arg3[%get3A_2, %get3A_3] : memref<64x64xf32, #tpu.memory_space<vmem>>, vector<64x64xf32>
    %dot_general3A = arith.constant dense<0.000000e+00> : vector<16384x64xf32>
    %dot_general3A_5 = tpu.matmul %get3A_1, %get3A_4, %dot_general3A {dimension_numbers = #tpu.dot_dimension_numbers<[0], [0], [1], [1], [0, 1, 1, 1], [], []>, transpose_lhs_hint = false} : vector<64x16384xf32>, vector<64x64xf32>, vector<16384x64xf32> -> vector<16384x64xf32>
    %swap3A = arith.constant 0 : index
    %swap3A_6 = arith.constant 0 : index
    %swap3A_7 = vector.load %arg4[%swap3A, %swap3A_6] : memref<16384x128xf32, #tpu.memory_space<vmem>>, vector<16384x64xf32>
    tpu.vector_store %arg4[%swap3A, %swap3A_6], %dot_general3A_5 {strides = array<i32>} : memref<16384x128xf32, #tpu.memory_space<vmem>>, vector<16384x64xf32>,
    %get3A_8 = arith.constant 0 : index
    %get3A_9 = arith.constant 0 : index
    %get3A_10 = vector.load %arg2[%get3A_8, %get3A_9] : memref<64x16384xf32, #tpu.memory_space<vmem>>, vector<64x16384xf32>
    %get3A_11 = arith.constant 0 : index
    %get3A_12 = arith.constant 0 : index
    %get3A_13 = vector.load %arg3[%get3A_11, %get3A_12] : memref<64x64xf32, #tpu.memory_space<vmem>>, vector<64x64xf32>
    %dot_general3A_14 = arith.constant dense<0.000000e+00> : vector<16384x64xf32>
    %dot_general3A_15 = tpu.matmul %get3A_10, %get3A_13, %dot_general3A_14 {dimension_numbers = #tpu.dot_dimension_numbers<[0], [0], [1], [1], [0, 1, 1, 1], [], []>, transpose_lhs_hint = false} : vector<64x16384xf32>, vector<64x64xf32>, vector<16384x64xf32> -> vector<16384x64xf32>
    %swap3A_16 = arith.constant 0 : index
    %swap3A_17 = arith.constant 64 : index
    %swap3A_18 = vector.load %arg4[%swap3A_16, %swap3A_17] : memref<16384x128xf32, #tpu.memory_space<vmem>>, vector<16384x64xf32>
    tpu.vector_store %arg4[%swap3A_16, %swap3A_17], %dot_general3A_15 {strides = array<i32>} : memref<16384x128xf32, #tpu.memory_space<vmem>>, vector<16384x64xf32>,
    return
  }
  func.func @transform_0(%arg0: i32) -> (i32, i32) {
    %c0_i32 = arith.constant 0 : i32
    %c0_i32_0 = arith.constant 0 : i32
    return %c0_i32, %arg0 : i32, i32
  }
  func.func @transform_1(%arg0: i32) -> (i32, i32) {
    %add3A = arith.constant 31 : i32
    %add3A_0 = arith.addi %arg0, %add3A : i32
    %c0_i32 = arith.constant 0 : i32
    %c0_i32_1 = arith.constant 0 : i32
    return %c0_i32, %add3A_0 : i32, i32
  }
  func.func @transform_2(%arg0: i32) -> (i32, i32) {
    %c0_i32 = arith.constant 0 : i32
    %c0_i32_0 = arith.constant 0 : i32
    %c0_i32_1 = arith.constant 0 : i32
    return %c0_i32, %c0_i32_0 : i32, i32
  }
  func.func @transform_3(%arg0: i32) -> (i32, i32) {
    %c0_i32 = arith.constant 0 : i32
    %c0_i32_0 = arith.constant 0 : i32
    return %arg0, %c0_i32 : i32, i32
  }
}

module attributes {stable_mosaic.version = 14 : i64} {
  func.func @_mlp_body(%arg0: i32, %arg1: memref<2048x384xf32, #tpu.memory_space<vmem>>, %arg2: memref<2048x3xi32, #tpu.memory_space<vmem>>, %arg3: memref<192x64xf32, #tpu.memory_space<vmem>>, %arg4: memref<1x64xf32, #tpu.memory_space<vmem>>, %arg5: memref<1x64xf32, #tpu.memory_space<vmem>>, %arg6: memref<1x1xf32, #tpu.memory_space<vmem>>, %arg7: memref<2048x1xf32, #tpu.memory_space<vmem>>) attributes {dimension_semantics = [#tpu.dimension_semantics<arbitrary>], iteration_bounds = array<i64: 8>, scalar_prefetch = 0 : i64, scratch_operands = 0 : i64, tpu.core_type = #tpu.core_type<tc>, window_params = [{transform_indices = @transform_0, window_bounds = array<i64: 2048, 384>}, {transform_indices = @transform_1, window_bounds = array<i64: 2048, 3>}, {pipeline_mode = #tpu.pipeline_mode<synchronous>, transform_indices = @transform_2, window_bounds = array<i64: 192, 64>}, {pipeline_mode = #tpu.pipeline_mode<synchronous>, transform_indices = @transform_3, window_bounds = array<i64: 1, 64>}, {pipeline_mode = #tpu.pipeline_mode<synchronous>, transform_indices = @transform_4, window_bounds = array<i64: 1, 64>}, {pipeline_mode = #tpu.pipeline_mode<synchronous>, transform_indices = @transform_5, window_bounds = array<i64: 1, 1>}, {transform_indices = @transform_6, window_bounds = array<i64: 2048, 1>}]} {
    %get3A = arith.constant 0 : index
    %get3A_0 = arith.constant 0 : index
    %get3A_1 = vector.load %arg2[%get3A, %get3A_0] : memref<2048x3xi32, #tpu.memory_space<vmem>>, vector<2048x3xi32>
    %get3A_2 = arith.constant 0 : index
    %get3A_3 = arith.constant 0 : index
    %get3A_4 = vector.load %arg4[%get3A_2, %get3A_3] : memref<1x64xf32, #tpu.memory_space<vmem>>, vector<1x64xf32>
    %get3A_5 = arith.constant 0 : index
    %get3A_6 = arith.constant 0 : index
    %get3A_7 = vector.load %arg1[%get3A_5, %get3A_6] : memref<2048x384xf32, #tpu.memory_space<vmem>>, vector<2048x128xf32>
    %slice3A = vector.extract_strided_slice %get3A_1 {offsets = [0, 0], sizes = [2048, 1], strides = [1, 1]} : vector<2048x3xi32> to vector<2048x1xi32>
    %ge3A = arith.constant 507904 : i32
    %ge3A_8 = vector.broadcast %ge3A : i32 to vector<2048x1xi32>
    %ge3A_9 = arith.cmpi sge, %slice3A, %ge3A_8 : vector<2048x1xi32>
    %slice3A_10 = vector.extract_strided_slice %get3A_7 {offsets = [0, 64], sizes = [2048, 64], strides = [1, 1]} : vector<2048x128xf32> to vector<2048x64xf32>
    %slice3A_11 = vector.extract_strided_slice %get3A_7 {offsets = [0, 0], sizes = [2048, 64], strides = [1, 1]} : vector<2048x128xf32> to vector<2048x64xf32>
    %broadcast_in_dim3A = vector.shape_cast %ge3A_9 : vector<2048x1xi1> to vector<2048x1xi1>
    %broadcast_in_dim3A_12 = vector.broadcast %broadcast_in_dim3A : vector<2048x1xi1> to vector<2048x64xi1>
    %select_n3A = arith.select %broadcast_in_dim3A_12, %slice3A_10, %slice3A_11 : vector<2048x64xi1>, vector<2048x64xf32>
    %get3A_13 = arith.constant 0 : index
    %get3A_14 = arith.constant 0 : index
    %get3A_15 = vector.load %arg3[%get3A_13, %get3A_14] : memref<192x64xf32, #tpu.memory_space<vmem>>, vector<64x64xf32>
    %dot_general3A = arith.constant dense<0.000000e+00> : vector<2048x64xf32>
    %dot_general3A_16 = tpu.matmul %select_n3A, %get3A_15, %dot_general3A {dimension_numbers = #tpu.dot_dimension_numbers<[1], [0], [0], [1], [0, 0, 1, 1], [], []>, transpose_lhs_hint = false} : vector<2048x64xf32>, vector<64x64xf32>, vector<2048x64xf32> -> vector<2048x64xf32>
    %add3A = vector.broadcast %get3A_4 : vector<1x64xf32> to vector<2048x64xf32>
    %add3A_17 = arith.addf %add3A, %dot_general3A_16 : vector<2048x64xf32>
    %get3A_18 = arith.constant 0 : index
    %get3A_19 = arith.constant 128 : index
    %get3A_20 = vector.load %arg1[%get3A_18, %get3A_19] : memref<2048x384xf32, #tpu.memory_space<vmem>>, vector<2048x128xf32>
    %slice3A_21 = vector.extract_strided_slice %get3A_1 {offsets = [0, 1], sizes = [2048, 1], strides = [1, 1]} : vector<2048x3xi32> to vector<2048x1xi32>
    %ge3A_22 = arith.constant 507904 : i32
    %ge3A_23 = vector.broadcast %ge3A_22 : i32 to vector<2048x1xi32>
    %ge3A_24 = arith.cmpi sge, %slice3A_21, %ge3A_23 : vector<2048x1xi32>
    %slice3A_25 = vector.extract_strided_slice %get3A_20 {offsets = [0, 64], sizes = [2048, 64], strides = [1, 1]} : vector<2048x128xf32> to vector<2048x64xf32>
    %slice3A_26 = vector.extract_strided_slice %get3A_20 {offsets = [0, 0], sizes = [2048, 64], strides = [1, 1]} : vector<2048x128xf32> to vector<2048x64xf32>
    %broadcast_in_dim3A_27 = vector.shape_cast %ge3A_24 : vector<2048x1xi1> to vector<2048x1xi1>
    %broadcast_in_dim3A_28 = vector.broadcast %broadcast_in_dim3A_27 : vector<2048x1xi1> to vector<2048x64xi1>
    %select_n3A_29 = arith.select %broadcast_in_dim3A_28, %slice3A_25, %slice3A_26 : vector<2048x64xi1>, vector<2048x64xf32>
    %get3A_30 = arith.constant 64 : index
    %get3A_31 = arith.constant 0 : index
    %get3A_32 = vector.load %arg3[%get3A_30, %get3A_31] : memref<192x64xf32, #tpu.memory_space<vmem>>, vector<64x64xf32>
    %dot_general3A_33 = arith.constant dense<0.000000e+00> : vector<2048x64xf32>
    %dot_general3A_34 = tpu.matmul %select_n3A_29, %get3A_32, %dot_general3A_33 {dimension_numbers = #tpu.dot_dimension_numbers<[1], [0], [0], [1], [0, 0, 1, 1], [], []>, transpose_lhs_hint = false} : vector<2048x64xf32>, vector<64x64xf32>, vector<2048x64xf32> -> vector<2048x64xf32>
    %add3A_35 = arith.addf %add3A_17, %dot_general3A_34 : vector<2048x64xf32>
    %get3A_36 = arith.constant 0 : index
    %get3A_37 = arith.constant 256 : index
    %get3A_38 = vector.load %arg1[%get3A_36, %get3A_37] : memref<2048x384xf32, #tpu.memory_space<vmem>>, vector<2048x128xf32>
    %slice3A_39 = vector.extract_strided_slice %get3A_1 {offsets = [0, 2], sizes = [2048, 1], strides = [1, 1]} : vector<2048x3xi32> to vector<2048x1xi32>
    %ge3A_40 = arith.constant 507904 : i32
    %ge3A_41 = vector.broadcast %ge3A_40 : i32 to vector<2048x1xi32>
    %ge3A_42 = arith.cmpi sge, %slice3A_39, %ge3A_41 : vector<2048x1xi32>
    %slice3A_43 = vector.extract_strided_slice %get3A_38 {offsets = [0, 64], sizes = [2048, 64], strides = [1, 1]} : vector<2048x128xf32> to vector<2048x64xf32>
    %slice3A_44 = vector.extract_strided_slice %get3A_38 {offsets = [0, 0], sizes = [2048, 64], strides = [1, 1]} : vector<2048x128xf32> to vector<2048x64xf32>
    %broadcast_in_dim3A_45 = vector.shape_cast %ge3A_42 : vector<2048x1xi1> to vector<2048x1xi1>
    %broadcast_in_dim3A_46 = vector.broadcast %broadcast_in_dim3A_45 : vector<2048x1xi1> to vector<2048x64xi1>
    %select_n3A_47 = arith.select %broadcast_in_dim3A_46, %slice3A_43, %slice3A_44 : vector<2048x64xi1>, vector<2048x64xf32>
    %get3A_48 = arith.constant 128 : index
    %get3A_49 = arith.constant 0 : index
    %get3A_50 = vector.load %arg3[%get3A_48, %get3A_49] : memref<192x64xf32, #tpu.memory_space<vmem>>, vector<64x64xf32>
    %dot_general3A_51 = arith.constant dense<0.000000e+00> : vector<2048x64xf32>
    %dot_general3A_52 = tpu.matmul %select_n3A_47, %get3A_50, %dot_general3A_51 {dimension_numbers = #tpu.dot_dimension_numbers<[1], [0], [0], [1], [0, 0, 1, 1], [], []>, transpose_lhs_hint = false} : vector<2048x64xf32>, vector<64x64xf32>, vector<2048x64xf32> -> vector<2048x64xf32>
    %add3A_53 = arith.addf %add3A_35, %dot_general3A_52 : vector<2048x64xf32>
    %max3A = arith.constant 0.000000e+00 : f32
    %max3A_54 = vector.broadcast %max3A : f32 to vector<2048x64xf32>
    %max3A_55 = arith.maximumf %add3A_53, %max3A_54 : vector<2048x64xf32>
    %get3A_56 = arith.constant 0 : index
    %get3A_57 = arith.constant 0 : index
    %get3A_58 = vector.load %arg5[%get3A_56, %get3A_57] : memref<1x64xf32, #tpu.memory_space<vmem>>, vector<1x64xf32>
    %mul3A = vector.broadcast %get3A_58 : vector<1x64xf32> to vector<2048x64xf32>
    %mul3A_59 = arith.mulf %max3A_55, %mul3A : vector<2048x64xf32>
    %reduce_sum3A = arith.constant dense<0.000000e+00> : vector<2048xf32>
    %reduce_sum3A_60 = vector.multi_reduction <add>, %mul3A_59, %reduce_sum3A [1] : vector<2048x64xf32> to vector<2048xf32>
    %broadcast_in_dim3A_61 = vector.shape_cast %reduce_sum3A_60 : vector<2048xf32> to vector<2048x1xf32>
    %get3A_62 = arith.constant 0 : index
    %get3A_63 = arith.constant 0 : index
    %get3A_64 = vector.load %arg6[%get3A_62, %get3A_63] : memref<1x1xf32, #tpu.memory_space<vmem>>, vector<1x1xf32>
    %add3A_65 = vector.broadcast %get3A_64 : vector<1x1xf32> to vector<2048x1xf32>
    %add3A_66 = arith.addf %broadcast_in_dim3A_61, %add3A_65 : vector<2048x1xf32>
    %logistic3A = arith.negf %add3A_66 : vector<2048x1xf32>
    %logistic3A_67 = math.exp %logistic3A : vector<2048x1xf32>
    %logistic3A_68 = arith.constant 1.000000e+00 : f32
    %logistic3A_69 = vector.broadcast %logistic3A_68 : f32 to vector<2048x1xf32>
    %logistic3A_70 = arith.addf %logistic3A_69, %logistic3A_67 : vector<2048x1xf32>
    %logistic3A_71 = arith.divf %logistic3A_69, %logistic3A_70 : vector<2048x1xf32>
    %swap3A = arith.constant 0 : index
    %swap3A_72 = arith.constant 0 : index
    %swap3A_73 = vector.load %arg7[%swap3A, %swap3A_72] : memref<2048x1xf32, #tpu.memory_space<vmem>>, vector<2048x1xf32>
    tpu.vector_store %arg7[%swap3A, %swap3A_72], %logistic3A_71 {strides = array<i32>} : memref<2048x1xf32, #tpu.memory_space<vmem>>, vector<2048x1xf32>,
    return
  }
  func.func @transform_0(%arg0: i32) -> (i32, i32) {
    %c0_i32 = arith.constant 0 : i32
    %c0_i32_0 = arith.constant 0 : i32
    return %arg0, %c0_i32 : i32, i32
  }
  func.func @transform_1(%arg0: i32) -> (i32, i32) {
    %c0_i32 = arith.constant 0 : i32
    %c0_i32_0 = arith.constant 0 : i32
    return %arg0, %c0_i32 : i32, i32
  }
  func.func @transform_2(%arg0: i32) -> (i32, i32) {
    %c0_i32 = arith.constant 0 : i32
    %c0_i32_0 = arith.constant 0 : i32
    %c0_i32_1 = arith.constant 0 : i32
    return %c0_i32, %c0_i32_0 : i32, i32
  }
  func.func @transform_3(%arg0: i32) -> (i32, i32) {
    %c0_i32 = arith.constant 0 : i32
    %c0_i32_0 = arith.constant 0 : i32
    %c0_i32_1 = arith.constant 0 : i32
    return %c0_i32, %c0_i32_0 : i32, i32
  }
  func.func @transform_4(%arg0: i32) -> (i32, i32) {
    %c0_i32 = arith.constant 0 : i32
    %c0_i32_0 = arith.constant 0 : i32
    %c0_i32_1 = arith.constant 0 : i32
    return %c0_i32, %c0_i32_0 : i32, i32
  }
  func.func @transform_5(%arg0: i32) -> (i32, i32) {
    %c0_i32 = arith.constant 0 : i32
    %c0_i32_0 = arith.constant 0 : i32
    %c0_i32_1 = arith.constant 0 : i32
    return %c0_i32, %c0_i32_0 : i32, i32
  }
  func.func @transform_6(%arg0: i32) -> (i32, i32) {
    %c0_i32 = arith.constant 0 : i32
    %c0_i32_0 = arith.constant 0 : i32
    return %arg0, %c0_i32 : i32, i32
  }
}

</mosaic_0001>

<sc_bundles>
// kernel: kernel.5.cloned.1.call-start
scs
__scs_entry_jumppad:
0x0: {  	(pc) =	sbr.rel $0x88, $3  }
0x1: {  	(tag) =	ssettag $0x0;
	lr =	simm.s32 $0x1  }
0x2: {  	[smem:$0x3F9B] =	sst lr;
	_ =	strace $0xD0000000  }
0x3: {  	_ = 	snop  }
0x4: {  	_ = 	snop  }
0x5: {  	_ = 	snop  }
0x6: {  	_ = 	snop  }
0x7: {  	_ = 	snop  }
__scs_overlays_trampoline_lowered:
0x8: {  	[smem:$0x3FAA] =	sst s0  }
0x9: {  	[smem:$0x3FAB] =	sst s1  }
0xa: {  	[smem:$0x3FAC] =	sst s2  }
0xb: {  	[smem:$0x3FAD] =	sst s3  }
0xc: {  	[smem:$0x3FAE] =	sst s4  }
0xd: {  	[smem:$0x3FAF] =	sst s5  }
0xe: {  	[smem:$0x3FB0] =	sst s6  }
0xf: {  	[smem:$0x3FB1] =	sst s7  }
0x10: {  	[smem:$0x3FB2] =	sst s8  }
0x11: {  	[smem:$0x3FB3] =	sst s9;
	s0 =	simm.s32 @!p0 $0x0  }
0x12: {  	s1 =	sld [smem:$0x3F99];
	s0 =	simm.s32 @p0 $0x1  }
0x13: {  	[smem:$0x3FB4] =	sst s0;
	s0 =	simm.s32 @!p1 $0x0  }
0x14: {  	s2 =	sld [smem:$0x3F98];
	s0 =	simm.s32 @p1 $0x1  }
0x15: {  	[smem:$0x3FB5] =	sst s0;
	s0 =	simm.s32 @!p2 $0x0  }
0x16: {  	s3 =	sld [smem:$0x3FDB];
	s0 =	simm.s32 @p2 $0x1  }
0x17: {  	s4 =	simm.s32 $0x1BF5;
	[smem:$0x3FB7] =	sst s0  }
0x18: {  	s0 =	sld [smem:$0x3F9A];
	_ =	swait.ge [sflag:s4], $0x0  }
0x19: {  	s7 =	sld [smem:$0x3F9B]  }
0x1a: {  	s8 =	sadd.s32 $0xFFFFE003, lr  }
0x1b: {  	s9 =	sadd.s32 $0xFFFFFEF7, lr;
	s5 =	simm.s32 $0xFFFFFFFF;
	p2 =	slt.u32 s8, $0xFFFFF086  }
0x1c: {  	p1 =	slt.u32 s9, $0xF7A;
	s5 =	simm.s32 @!p2 $0x0  }
0x1d: {  	s5 =	simm.s32 @p1 $0x1;
	p0 =	seq.s32 s7, s2  }
0x1e: {  	s7 =	smul.u32 @!p0 $0xF7A, s2;
	p2 =	seq.s32 @!p0 s5, $0x0  }
0x1f: {  	s9 =	smul.u32 $0xF7A, s1;
	s8 =	simm.s32 @!p0 $0x1BF5;
	p2 =	por !p2, p0  }
0x20: {  	[sflag:s8] =	ssyncset.s32 @!p0 $0xFFFFF086;
	s6 =	sadd.s32 @!p0 s3, s7;
	s7 =	simm.s32 @!p0 $0x108  }
0x21: {  	s3 =	sadd.s32 s3, s9;
	s6 =	sadd.s32 @!p0 $0x88, s6;
	s7 =	simm.s32 @p2 $0x1082  }
0x22: {  	[simem:s7], [sflag:s8] =	dma.local @!p0 [hbm:s6], $0xF7A  }
0x23: {  	s9 =	sor.u32 $0xD0000000, s2;
	s6 =	simm.s32 $0x108;
	_ =	swait.ge @!p0 [sflag:s8], $0x0  }
0x24: {  	s3 =	sadd.s32 $0x88, s3;
	s6 =	simm.s32 @!p1 $0x1082;
	[sflag:s4] =	ssyncset.s32 $0xFFFFF086  }
0x25: {  	[simem:s6], [sflag:s4] =	dma.local [hbm:s3], $0xF7A  }
0x26: {  	[smem:$0x3F9B] =	sst s1;
	(tag) =	ssettag s2;
	_ =	strace s9  }
0x27: {  	s1 =	sld [smem:$0x3FAB]  }
0x28: {  	s2 =	sld [smem:$0x3FAC]  }
0x29: {  	s4 =	sld [smem:$0x3FAE]  }
0x2a: {  	p0 =	seq.s32 s5, $0x0;
	s5 =	sld [smem:$0x3FAF]  }
0x2b: {  	s6 =	sld [smem:$0x3FB0]  }
0x2c: {  	s7 =	sld [smem:$0x3FB1]  }
0x2d: {  	s3 =	simm.s32 $0x108;
	s8 =	sld [smem:$0x3FB2]  }
0x2e: {  	s3 =	simm.s32 @!p0 $0x1082;
	s9 =	sld [smem:$0x3FB3]  }
0x2f: {  	lr =	sadd.s32 s0, s3;
	s0 =	sld [smem:$0x3FAA]  }
0x30: {  	s3 =	sld [smem:$0x3FAD]  }
0x31: {  	[smem:$0x3FB6] =	sst s10  }
0x32: {  	s10 =	sld [smem:$0x3FB4];
	_ =	sdelay $0x3  }
0x33: {  	p0 =	seq.s32 s10, $0x1;
	s10 =	sld [smem:$0x3FB6];
	_ =	sdelay $0x3  }
0x34: {  	[smem:$0x3FB6] =	sst s10  }
0x35: {  	s10 =	sld [smem:$0x3FB5];
	_ =	sdelay $0x3  }
0x36: {  	p1 =	seq.s32 s10, $0x1;
	s10 =	sld [smem:$0x3FB6];
	_ =	sdelay $0x3  }
0x37: {  	[smem:$0x3FB6] =	sst s10  }
0x38: {  	s10 =	sld [smem:$0x3FB7]  }
0x39: {  	_ = 	snop;
	(pc) =	sbr.ind lr, $3  }
0x3a: {  	_ = 	snop  }
0x3b: {  	_ = 	snop  }
0x3c: {  	p2 =	seq.s32 s10, $0x1;
	s10 =	sld [smem:$0x3FB6]  }
0x3d: {  	_ =	shalt  }
0x3e: {  	_ =	shalt  }
0x3f: {  	_ =	shalt  }
0x40: {  	_ =	shalt  }
0x41: {  	_ =	shalt  }
0x42: {  	_ =	shalt  }
0x43: {  	_ =	shalt  }
0x44: {  	_ =	shalt  }
0x45: {  	_ =	shalt  }
0x46: {  	_ =	shalt  }
0x47: {  	_ =	shalt  }
0x48: {  	_ =	shalt  }
0x49: {  	_ =	shalt  }
0x4a: {  	_ =	shalt  }
0x4b: {  	_ =	shalt  }
0x4c: {  	_ =	shalt  }
0x4d: {  	_ =	shalt  }
0x4e: {  	_ =	shalt  }
0x4f: {  	_ =	shalt  }
0x50: {  	_ =	shalt  }
0x51: {  	_ =	shalt  }
0x52: {  	_ =	shalt  }
0x53: {  	_ =	shalt  }
0x54: {  	_ =	shalt  }
0x55: {  	_ =	shalt  }
0x56: {  	_ =	shalt  }
0x57: {  	_ =	shalt  }
0x58: {  	_ =	shalt  }
0x59: {  	_ =	shalt  }
0x5a: {  	_ =	shalt  }
0x5b: {  	_ =	shalt  }
0x5c: {  	_ =	shalt  }
0x5d: {  	_ =	shalt  }
0x5e: {  	_ =	shalt  }
0x5f: {  	_ =	shalt  }
0x60: {  	_ =	shalt  }
0x61: {  	_ =	shalt  }
0x62: {  	_ =	shalt  }
0x63: {  	_ =	shalt  }
0x64: {  	_ =	shalt  }
0x65: {  	_ =	shalt  }
0x66: {  	_ =	shalt  }
0x67: {  	_ =	shalt  }
0x68: {  	_ =	shalt  }
0x69: {  	_ =	shalt  }
0x6a: {  	_ =	shalt  }
0x6b: {  	_ =	shalt  }
0x6c: {  	_ =	shalt  }
0x6d: {  	_ =	shalt  }
0x6e: {  	_ =	shalt  }
0x6f: {  	_ =	shalt  }
0x70: {  	_ =	shalt  }
0x71: {  	_ =	shalt  }
0x72: {  	_ =	shalt  }
0x73: {  	_ =	shalt  }
0x74: {  	_ =	shalt  }
0x75: {  	_ =	shalt  }
0x76: {  	_ =	shalt  }
0x77: {  	_ =	shalt  }
0x78: {  	_ =	shalt  }
0x79: {  	_ =	shalt  }
0x7a: {  	_ =	shalt  }
0x7b: {  	_ =	shalt  }
0x7c: {  	_ =	shalt  }
0x7d: {  	_ =	shalt  }
0x7e: {  	_ =	shalt  }
0x7f: {  	_ =	shalt  }
0x80: {  	_ =	shalt  }
0x81: {  	_ =	shalt  }
0x82: {  	_ =	shalt  }
0x83: {  	_ =	shalt  }
0x84: {  	_ =	shalt  }
0x85: {  	_ =	shalt  }
0x86: {  	_ =	shalt  }
0x87: {  	_ =	shalt  }
.Lfunc_end0:
.L_simem_size_0:
called_computation_lowered:
.L_overlay_start_0:
0x88: {  	s2 =	sld [smem:$0x3FD9]  }
0x89: {  	s3 =	sld [smem:$0x3FFE];
	_ =	sdelay $0x1  }
0x8a: {  	s1 =	srdreg.scid  }
0x8b: {  	s0 =	sand.u32 $0x1, s1  }
0x8c: {  	s16 =	sshll.u32 s0, $0xA;
	s2 =	sadd.s32 s3, s2  }
0x8d: {  	s2 =	sadd.s32 s2, s16  }
0x8e: {  	[smem:$0x3FC2] =	sst s2  }
0x8f: {  	_ = 	snop  }
0x90: {  	(tm) =	ssettm $0x1  }
0x91: {  	s17 =	sld [smem:$0x3FFB];
	_ =	sdelay $0x3  }
0x92: {  	_ =	strace s17  }
0x93: {  	s2 =	sld [smem:$0x3FFC];
	_ =	sdelay $0x3  }
0x94: {  	_ =	strace s2  }
0x95: {  	s2 =	sld [smem:$0x3FFD];
	_ =	sdelay $0x3  }
0x96: {  	_ =	strace s2  }
0x97: {  	_ =	strace $0x8FFFFFFF  }
0x98: {  	s18 =	sld [smem:$0x3FDB];
	_ =	sdelay $0x1  }
0x99: {  	s19 =	simm.s32 $_scs_section_size  }
0x9a: {  	s4 =	simm.s32 $_size__tile_overlayer_lowered;
	s5 =	simm.s32 $_tile_overlayer_lowered  }
0x9b: {  	s22 =	simm.s32 $0x1BFF;
	s21 =	sshll.u32 s5, $0x1;
	s2 =	sadd.s32 s19, s18  }
0x9c: {  	s6 =	simm.s32 $0x0;
	s20 =	sshll.u32 s4, $0x1;
	s4 =	sadd.s32 s21, s2  }
0x9d: {  	[timem:s6], [sflag:s22] =	dma.local [hbm:s4], s20  }
0x9e: {  	_ =	swait.ge [sflag:s22], s20  }
0x9f: {  	s3 =	ssub.s32 $0x0, s20;
	[sflag:s22] =	ssyncset.done $0x0  }
0xa0: {  	[sflag:s22] =	ssyncadd.s32 s3;
	_ =	sdelay $0x1  }
0xa1: {  	s23 =	simm.s32 $0x1B8B  }
0xa2: {  	_ =	swait.ge [sflag:s23], $0x1  }
0xa3: {  	[sflag:s23] =	ssyncset.done $0x0  }
0xa4: {  	s25 =	simm.s32 $0x1B8E;
	s24 =	sld [smem:$0x3FFE];
	[sflag:s23] =	ssyncadd.s32 $0xFFFFFFFF  }
0xa5: {  	s26 =	simm.s32 $execute0_lowered;
	[smem:$0x3FD2] =	sst s25  }
0xa6: {  	s4 =	sshll.u32 s26, $0x1;
	_ =	strace $0x80000046;
	[dreg:$0x1] =	wrdreg $0xFFFFFFFF  }
0xa7: {  	s28 =	simm.s32 $_size_execute0_lowered;
	s2 =	sadd.s32 s2, s4;
	[dreg:$0x0] =	wrdreg $0x0  }
0xa8: {  	s4 =	sshll.u32 s28, $0x1;
	[dreg:$0x2] =	wrdreg s2  }
0xa9: {  	[dreg:$0x3] =	wrdreg s4  }
0xaa: {  	[dreg:$0x4] =	wrdreg $0xC0  }
0xab: {  	_ =	task [dreg:s6], $0x5FFFF  }
0xac: {  	[dreg:$0x1] =	wrdreg $0xFFFFFFFF  }
0xad: {  	[dreg:$0x0] =	wrdreg $0x60  }
0xae: {  	[dreg:$0x2] =	wrdreg s24  }
0xaf: {  	[dreg:$0x3] =	wrdreg $0x9  }
0xb0: {  	_ =	task.clear_ibuf [dreg:s6], $0x4FFFF;
	_ =	strace $0x90000046  }
0xb1: {  	s29 =	simm.s32 $0x9;
	_ =	strace $0x80000048  }
0xb2: {  	_ =	swait.ge [sflag:s29], $0x1  }
0xb3: {  	[sflag:s29] =	ssyncadd.s32 $0xFFFFFFFF  }
0xb4: {  	_ =	strace $0x90000048  }
0xb5: {  	_ =	sfence  }
0xb6: {  	s30 =	sld [smem:$0x0];
	_ =	sdelay $0x2  }
0xb7: {  	s31 =	sshll.u32 s1, $0xD;
	s1 =	sshrl.u32 s1, $0x2  }
0xb8: {  	s3 =	sand.u32 $0x4000, s31;
	s1 =	sadd.s32 s1, s30  }
0xb9: {  	s0 =	sor.u32 s3, s0;
	s1 =	sshll.u32 s1, $0x11  }
0xba: {  	s0 =	sor.u32 s1, s0  }
0xbb: {  	s0 =	sadd.s32 $0x8F2B, s0  }
0xbc: {  	[sflag:s0] =	ssyncadd.remote.s32 $0x1  }
0xbd: {  	_ =	sfence.sel $0xFFFF  }
0xbe: {  	[dreg:$0x0] =	wrdreg $0xFFFFFFFF;
	(pc) =	sbr.abs _section_cstart, $3  }
0xbf: {  	[dreg:$0x1] =	wrdreg $0xFFFFFFFF  }
0xc0: {  	_ =	task.clear_ibuf [dreg:s6], $0x2FFFF;
	_ =	strace $0x9FFFFFFF  }
0xc1: {  	(tm) =	ssettm $0x7FFFFFFF  }
tec
execute0_lowered:
.L_overlay_start_1:
0x0: {  	(tag) =	ssettag $0x1  }
0x1: {  	s1 =	srdreg.scid;
	s0 =	stileid.u32  }
0x2: {  	s1 =	sand.u32 $0x1, s1;
	s2 =	sshll.u32 s0, $0x1  }
0x3: {  	s15 =	sor.u32 s1, s2  }
0x4: {  	s5 =	rddreg [dreg:$0x0];
	s3 =	sshll.u32 s15, $0x8;
	s4 =	smul.u32 $0x6000, s15  }
0x5: {  	s16 =	sadd.s32 $0x803400, s5;
	s2 =	simm.s32 $0x0;
	s3 =	sadd.s32 s3, s5  }
0x6: {  	[smem:$0x7FF] =	sst s2;
	s6 =	sadd.s32 $0x41400, s3;
	s3 =	sadd.s32 s16, s4  }
0x7: {  	_ =	strace $0x80000047;
	[dreg:$0x2] =	wrdreg s6;
	s4 =	sadd.s32 $0x800, s3  }
0x8: {  	[dreg:$0x3] =	wrdreg s4  }
0x9: {  	s24 =	sadd.s32 $0x1000, s3;
	s6 =	rddreg [dreg:$0x2]  }
0xa: {  	s25 =	sadd.s32 $0x1800, s3;
	[dreg:$0x4] =	wrdreg s24  }
0xb: {  	[dreg:$0x5] =	wrdreg s25;
	s4 =	simm.s32 $0x5  }
0xc: {  	[tilespmem:s2], [sflag:$0x5] =	stream.linear.gather [hbm4b:s6+s2], $0x600, $0x38;
	[tilespmem:$0x8800] =	vst v63  }
0xd: {  	_ =	swait.ge [sflag:s4], $0x600  }
0xe: {  	s7 =	simm.s32 $0x800;
	s8 =	simm.s32 $0x1;
	[sflag:s4] =	ssyncset.done $0x0  }
0xf: {  	s5 =	sadd.s32 $0x43400, s5;
	s6 =	simm.s32 $0x80;
	[sflag:s4] =	ssyncadd.s32 $0xFFFFFA00  }
0x10: {  	[tilespmem:s7], [sflag:$0x1] =	stream.indirect.gather [hbm4b:s5+s6], $0x80, s2, s6, $0xb8;
	[tilespmem:$0x8800] =	vst v63  }
0x11: {  	_ =	swait.ge [sflag:s8], $0x4000  }
0x12: {  	[sflag:s8] =	ssyncset.done $0x0  }
0x13: {  	[sflag:s8] =	ssyncadd.s32 $0xFFFFC000  }
0x14: {  	[hbm4b:s3+s2] =	stream.linear.scatter [tilespmem:s7], [sflag:$0x3], $0x4000, $0x38;
	[tilespmem:$0x8800] =	vst v63  }
0x15: {  	s9 =	simm.s32 $0x4800;
	s10 =	simm.s32 $0x2  }
0x16: {  	[tilespmem:s9], [sflag:$0x2] =	stream.indirect.gather [hbm4b:s5+s6], $0x80, s6, s6, $0xb8;
	[tilespmem:$0x8800] =	vst v63  }
0x17: {  	_ =	swait.ge [sflag:s10], $0x4000  }
0x18: {  	[sflag:s10] =	ssyncset.done $0x0  }
0x19: {  	s11 =	simm.s32 $0x3;
	s12 =	rddreg [dreg:$0x3];
	[sflag:s10] =	ssyncadd.s32 $0xFFFFC000  }
0x1a: {  	[hbm4b:s12+s2] =	stream.linear.scatter [tilespmem:s9], [sflag:$0x4], $0x4000, $0x38;
	[tilespmem:$0x8800] =	vst v63  }
0x1b: {  	_ =	swait.ge [sflag:s11], $0x4000  }
0x1c: {  	[sflag:s11] =	ssyncset.done $0x0  }
0x1d: {  	s12 =	simm.s32 $0x100;
	[sflag:s11] =	ssyncadd.s32 $0xFFFFC000  }
0x1e: {  	[tilespmem:s7], [sflag:$0x1] =	stream.indirect.gather [hbm4b:s5+s6], $0x80, s12, s6, $0xb8;
	[tilespmem:$0x8800] =	vst v63  }
0x1f: {  	_ =	swait.ge [sflag:s8], $0x4000  }
0x20: {  	[sflag:s8] =	ssyncset.done $0x0  }
0x21: {  	s13 =	simm.s32 $0x4;
	s14 =	rddreg [dreg:$0x4];
	[sflag:s8] =	ssyncadd.s32 $0xFFFFC000  }
0x22: {  	[hbm4b:s14+s2] =	stream.linear.scatter [tilespmem:s7], [sflag:$0x3], $0x4000, $0x38;
	[tilespmem:$0x8800] =	vst v63  }
0x23: {  	_ =	swait.ge [sflag:s13], $0x4000  }
0x24: {  	[sflag:s13] =	ssyncset.done $0x0  }
0x25: {  	s14 =	simm.s32 $0x180;
	[sflag:s13] =	ssyncadd.s32 $0xFFFFC000  }
0x26: {  	[tilespmem:s9], [sflag:$0x2] =	stream.indirect.gather [hbm4b:s5+s6], $0x80, s14, s6, $0xb8;
	[tilespmem:$0x8800] =	vst v63  }
0x27: {  	_ =	swait.ge [sflag:s10], $0x4000  }
0x28: {  	[sflag:s10] =	ssyncset.done $0x0  }
0x29: {  	s17 =	rddreg [dreg:$0x5];
	[sflag:s10] =	ssyncadd.s32 $0xFFFFC000  }
0x2a: {  	[hbm4b:s17+s2] =	stream.linear.scatter [tilespmem:s9], [sflag:$0x4], $0x4000, $0x38;
	[tilespmem:$0x8800] =	vst v63  }
0x2b: {  	_ =	swait.ge [sflag:s11], $0x4000  }
0x2c: {  	[sflag:s11] =	ssyncset.done $0x0  }
0x2d: {  	s26 =	smul.u32 $0x30000, s15;
	s15 =	simm.s32 $0x200;
	[sflag:s11] =	ssyncadd.s32 $0xFFFFC000  }
0x2e: {  	[tilespmem:s7], [sflag:$0x1] =	stream.indirect.gather [hbm4b:s5+s6], $0x80, s15, s6, $0xb8;
	[tilespmem:$0x8800] =	vst v63  }
0x2f: {  	s17 =	sshrl.u32 s26, $0x3;
	_ =	swait.ge [sflag:s8], $0x4000  }
0x30: {  	s31 =	sadd.s32 s16, s17;
	[sflag:s8] =	ssyncset.done $0x0  }
0x31: {  	s16 =	sadd.s32 $0x2000, s31;
	[sflag:s8] =	ssyncadd.s32 $0xFFFFC000  }
0x32: {  	[hbm4b:s16+s2] =	stream.linear.scatter [tilespmem:s7], [sflag:$0x3], $0x4000, $0x38;
	[tilespmem:$0x8800] =	vst v63  }
0x33: {  	_ =	swait.ge [sflag:s13], $0x4000  }
0x34: {  	[sflag:s13] =	ssyncset.done $0x0  }
0x35: {  	s17 =	simm.s32 $0x280;
	[sflag:s13] =	ssyncadd.s32 $0xFFFFC000  }
0x36: {  	[tilespmem:s9], [sflag:$0x2] =	stream.indirect.gather [hbm4b:s5+s6], $0x80, s17, s6, $0xb8;
	[tilespmem:$0x8800] =	vst v63  }
0x37: {  	_ =	swait.ge [sflag:s10], $0x4000  }
0x38: {  	[sflag:s10] =	ssyncset.done $0x0  }
0x39: {  	s18 =	sadd.s32 $0x2800, s31;
	[sflag:s10] =	ssyncadd.s32 $0xFFFFC000  }
0x3a: {  	[hbm4b:s18+s2] =	stream.linear.scatter [tilespmem:s9], [sflag:$0x4], $0x4000, $0x38;
	[tilespmem:$0x8800] =	vst v63  }
0x3b: {  	_ =	swait.ge [sflag:s11], $0x4000  }
0x3c: {  	[sflag:s11] =	ssyncset.done $0x0  }
0x3d: {  	s19 =	simm.s32 $0x300;
	[sflag:s11] =	ssyncadd.s32 $0xFFFFC000  }
0x3e: {  	[tilespmem:s7], [sflag:$0x1] =	stream.indirect.gather [hbm4b:s5+s6], $0x80, s19, s6, $0xb8;
	[tilespmem:$0x8800] =	vst v63  }
0x3f: {  	_ =	swait.ge [sflag:s8], $0x4000  }
0x40: {  	[sflag:s8] =	ssyncset.done $0x0  }
0x41: {  	s20 =	sadd.s32 $0x3000, s31;
	[sflag:s8] =	ssyncadd.s32 $0xFFFFC000  }
0x42: {  	[hbm4b:s20+s2] =	stream.linear.scatter [tilespmem:s7], [sflag:$0x3], $0x4000, $0x38;
	[tilespmem:$0x8800] =	vst v63  }
0x43: {  	_ =	swait.ge [sflag:s13], $0x4000  }
0x44: {  	[sflag:s13] =	ssyncset.done $0x0  }
0x45: {  	s21 =	simm.s32 $0x380;
	[sflag:s13] =	ssyncadd.s32 $0xFFFFC000  }
0x46: {  	[tilespmem:s9], [sflag:$0x2] =	stream.indirect.gather [hbm4b:s5+s6], $0x80, s21, s6, $0xb8;
	[tilespmem:$0x8800] =	vst v63  }
0x47: {  	_ =	swait.ge [sflag:s10], $0x4000  }
0x48: {  	[sflag:s10] =	ssyncset.done $0x0  }
0x49: {  	s22 =	sadd.s32 $0x3800, s31;
	[sflag:s10] =	ssyncadd.s32 $0xFFFFC000  }
0x4a: {  	[hbm4b:s22+s2] =	stream.linear.scatter [tilespmem:s9], [sflag:$0x4], $0x4000, $0x38;
	[tilespmem:$0x8800] =	vst v63  }
0x4b: {  	_ =	swait.ge [sflag:s11], $0x4000  }
0x4c: {  	[sflag:s11] =	ssyncset.done $0x0  }
0x4d: {  	s23 =	simm.s32 $0x400;
	[sflag:s11] =	ssyncadd.s32 $0xFFFFC000  }
0x4e: {  	[tilespmem:s7], [sflag:$0x1] =	stream.indirect.gather [hbm4b:s5+s6], $0x80, s23, s6, $0xb8;
	[tilespmem:$0x8800] =	vst v63  }
0x4f: {  	_ =	swait.ge [sflag:s8], $0x4000  }
0x50: {  	[sflag:s8] =	ssyncset.done $0x0  }
0x51: {  	s24 =	sadd.s32 $0x4000, s31;
	[sflag:s8] =	ssyncadd.s32 $0xFFFFC000  }
0x52: {  	[hbm4b:s24+s2] =	stream.linear.scatter [tilespmem:s7], [sflag:$0x3], $0x4000, $0x38;
	[tilespmem:$0x8800] =	vst v63  }
0x53: {  	_ =	swait.ge [sflag:s13], $0x4000  }
0x54: {  	[sflag:s13] =	ssyncset.done $0x0  }
0x55: {  	s25 =	simm.s32 $0x480;
	[sflag:s13] =	ssyncadd.s32 $0xFFFFC000  }
0x56: {  	[tilespmem:s9], [sflag:$0x2] =	stream.indirect.gather [hbm4b:s5+s6], $0x80, s25, s6, $0xb8;
	[tilespmem:$0x8800] =	vst v63  }
0x57: {  	_ =	swait.ge [sflag:s10], $0x4000  }
0x58: {  	[sflag:s10] =	ssyncset.done $0x0  }
0x59: {  	s26 =	sadd.s32 $0x4800, s31;
	[sflag:s10] =	ssyncadd.s32 $0xFFFFC000  }
0x5a: {  	[hbm4b:s26+s2] =	stream.linear.scatter [tilespmem:s9], [sflag:$0x4], $0x4000, $0x38;
	[tilespmem:$0x8800] =	vst v63  }
0x5b: {  	_ =	swait.ge [sflag:s11], $0x4000  }
0x5c: {  	[sflag:s11] =	ssyncset.done $0x0  }
0x5d: {  	s28 =	simm.s32 $0x500;
	[sflag:s11] =	ssyncadd.s32 $0xFFFFC000  }
0x5e: {  	[tilespmem:s7], [sflag:$0x1] =	stream.indirect.gather [hbm4b:s5+s6], $0x80, s28, s6, $0xb8;
	[tilespmem:$0x8800] =	vst v63  }
0x5f: {  	_ =	swait.ge [sflag:s8], $0x4000  }
0x60: {  	[sflag:s8] =	ssyncset.done $0x0  }
0x61: {  	s29 =	sadd.s32 $0x5000, s31;
	[sflag:s8] =	ssyncadd.s32 $0xFFFFC000  }
0x62: {  	[hbm4b:s29+s2] =	stream.linear.scatter [tilespmem:s7], [sflag:$0x3], $0x4000, $0x38;
	[tilespmem:$0x8800] =	vst v63  }
0x63: {  	_ =	swait.ge [sflag:s13], $0x4000  }
0x64: {  	s1 =	ssub.s32 $0x2, s1;
	[sflag:s13] =	ssyncset.done $0x0  }
0x65: {  	s30 =	simm.s32 $0x580;
	s0 =	sshrl.u32 s1, $0x1;
	[sflag:s13] =	ssyncadd.s32 $0xFFFFC000  }
0x66: {  	[tilespmem:s9], [sflag:$0x2] =	stream.indirect.gather [hbm4b:s5+s6], $0x80, s30, s6, $0xb8;
	[tilespmem:$0x8800] =	vst v63  }
0x67: {  	s0 =	ssub.s32 s1, s0;
	_ =	swait.ge [sflag:s10], $0x4000  }
0x68: {  	s0 =	smax.u32 s0, $0x1;
	[sflag:s10] =	ssyncset.done $0x0  }
0x69: {  	p0 =	sne.s32 s0, $0x1;
	s31 =	sadd.s32 $0x5800, s31;
	[sflag:s10] =	ssyncadd.s32 $0xFFFFC000  }
0x6a: {  	[hbm4b:s31+s2] =	stream.linear.scatter [tilespmem:s9], [sflag:$0x4], $0x4000, $0x38;
	[tilespmem:$0x8800] =	vst v63  }
.Ltmp0:
0x6b: {  	_ =	swait.ge [sflag:s11], $0x4000;
	(pc) =	sbr.rel @!p0 .LBB2_2-.Ltmp0, $4  }
0x6c: {  	[sflag:s11] =	ssyncset.done $0x0  }
0x6d: {  	[sflag:s11] =	ssyncadd.s32 $0xFFFFC000  }
0x6e: {  	_ =	swait.ge [sflag:s13], $0x4000  }
0x6f: {  	s1 =	sadd.s32 $0xFFFFFFFF, s0;
	[sflag:s13] =	ssyncset.done $0x0  }
.LBB2_1:
0x70: {  	s0 =	rddreg [dreg:$0x2];
	[sflag:s13] =	ssyncadd.s32 $0xFFFFC000  }
0x71: {  	[tilespmem:s2], [sflag:$0x5] =	stream.linear.gather [hbm4b:s0+s2], $0x600, $0x38;
	[tilespmem:$0x8800] =	vst v63  }
0x72: {  	_ =	swait.ge [sflag:s4], $0x600  }
0x73: {  	[sflag:s4] =	ssyncset.done $0x0  }
0x74: {  	[sflag:s4] =	ssyncadd.s32 $0xFFFFFA00  }
0x75: {  	[tilespmem:s7], [sflag:$0x1] =	stream.indirect.gather [hbm4b:s5+s6], $0x80, s2, s6, $0xb8;
	[tilespmem:$0x8800] =	vst v63  }
0x76: {  	_ =	swait.ge [sflag:s8], $0x4000  }
0x77: {  	[sflag:s8] =	ssyncset.done $0x0  }
0x78: {  	[sflag:s8] =	ssyncadd.s32 $0xFFFFC000  }
0x79: {  	[hbm4b:s3+s2] =	stream.linear.scatter [tilespmem:s7], [sflag:$0x3], $0x4000, $0x38;
	[tilespmem:$0x8800] =	vst v63  }
0x7a: {  	_ = 	snop  }
0x7b: {  	[tilespmem:s9], [sflag:$0x2] =	stream.indirect.gather [hbm4b:s5+s6], $0x80, s6, s6, $0xb8;
	[tilespmem:$0x8800] =	vst v63  }
0x7c: {  	_ =	swait.ge [sflag:s10], $0x4000  }
0x7d: {  	[sflag:s10] =	ssyncset.done $0x0  }
0x7e: {  	s0 =	rddreg [dreg:$0x3];
	[sflag:s10] =	ssyncadd.s32 $0xFFFFC000  }
0x7f: {  	[hbm4b:s0+s2] =	stream.linear.scatter [tilespmem:s9], [sflag:$0x4], $0x4000, $0x38;
	[tilespmem:$0x8800] =	vst v63  }
0x80: {  	_ =	swait.ge [sflag:s11], $0x4000  }
0x81: {  	[sflag:s11] =	ssyncset.done $0x0  }
0x82: {  	[sflag:s11] =	ssyncadd.s32 $0xFFFFC000  }
0x83: {  	[tilespmem:s7], [sflag:$0x1] =	stream.indirect.gather [hbm4b:s5+s6], $0x80, s12, s6, $0xb8;
	[tilespmem:$0x8800] =	vst v63  }
0x84: {  	_ =	swait.ge [sflag:s8], $0x4000  }
0x85: {  	[sflag:s8] =	ssyncset.done $0x0  }
0x86: {  	s0 =	rddreg [dreg:$0x4];
	[sflag:s8] =	ssyncadd.s32 $0xFFFFC000  }
0x87: {  	[hbm4b:s0+s2] =	stream.linear.scatter [tilespmem:s7], [sflag:$0x3], $0x4000, $0x38;
	[tilespmem:$0x8800] =	vst v63  }
0x88: {  	_ =	swait.ge [sflag:s13], $0x4000  }
0x89: {  	[sflag:s13] =	ssyncset.done $0x0  }
0x8a: {  	[sflag:s13] =	ssyncadd.s32 $0xFFFFC000  }
0x8b: {  	[tilespmem:s9], [sflag:$0x2] =	stream.indirect.gather [hbm4b:s5+s6], $0x80, s14, s6, $0xb8;
	[tilespmem:$0x8800] =	vst v63  }
0x8c: {  	_ =	swait.ge [sflag:s10], $0x4000  }
0x8d: {  	[sflag:s10] =	ssyncset.done $0x0  }
0x8e: {  	s0 =	rddreg [dreg:$0x5];
	[sflag:s10] =	ssyncadd.s32 $0xFFFFC000  }
0x8f: {  	[hbm4b:s0+s2] =	stream.linear.scatter [tilespmem:s9], [sflag:$0x4], $0x4000, $0x38;
	[tilespmem:$0x8800] =	vst v63  }
0x90: {  	_ =	swait.ge [sflag:s11], $0x4000  }
0x91: {  	[sflag:s11] =	ssyncset.done $0x0  }
0x92: {  	[sflag:s11] =	ssyncadd.s32 $0xFFFFC000  }
0x93: {  	[tilespmem:s7], [sflag:$0x1] =	stream.indirect.gather [hbm4b:s5+s6], $0x80, s15, s6, $0xb8;
	[tilespmem:$0x8800] =	vst v63  }
0x94: {  	_ =	swait.ge [sflag:s8], $0x4000  }
0x95: {  	[sflag:s8] =	ssyncset.done $0x0  }
0x96: {  	[sflag:s8] =	ssyncadd.s32 $0xFFFFC000  }
0x97: {  	[hbm4b:s16+s2] =	stream.linear.scatter [tilespmem:s7], [sflag:$0x3], $0x4000, $0x38;
	[tilespmem:$0x8800] =	vst v63  }
0x98: {  	_ =	swait.ge [sflag:s13], $0x4000  }
0x99: {  	[sflag:s13] =	ssyncset.done $0x0  }
0x9a: {  	[sflag:s13] =	ssyncadd.s32 $0xFFFFC000  }
0x9b: {  	[tilespmem:s9], [sflag:$0x2] =	stream.indirect.gather [hbm4b:s5+s6], $0x80, s17, s6, $0xb8;
	[tilespmem:$0x8800] =	vst v63  }
0x9c: {  	_ =	swait.ge [sflag:s10], $0x4000  }
0x9d: {  	[sflag:s10] =	ssyncset.done $0x0  }
0x9e: {  	[sflag:s10] =	ssyncadd.s32 $0xFFFFC000  }
0x9f: {  	[hbm4b:s18+s2] =	stream.linear.scatter [tilespmem:s9], [sflag:$0x4], $0x4000, $0x38;
	[tilespmem:$0x8800] =	vst v63  }
0xa0: {  	_ =	swait.ge [sflag:s11], $0x4000  }
0xa1: {  	[sflag:s11] =	ssyncset.done $0x0  }
0xa2: {  	[sflag:s11] =	ssyncadd.s32 $0xFFFFC000  }
0xa3: {  	[tilespmem:s7], [sflag:$0x1] =	stream.indirect.gather [hbm4b:s5+s6], $0x80, s19, s6, $0xb8;
	[tilespmem:$0x8800] =	vst v63  }
0xa4: {  	_ =	swait.ge [sflag:s8], $0x4000  }
0xa5: {  	[sflag:s8] =	ssyncset.done $0x0  }
0xa6: {  	[sflag:s8] =	ssyncadd.s32 $0xFFFFC000  }
0xa7: {  	[hbm4b:s20+s2] =	stream.linear.scatter [tilespmem:s7], [sflag:$0x3], $0x4000, $0x38;
	[tilespmem:$0x8800] =	vst v63  }
0xa8: {  	_ =	swait.ge [sflag:s13], $0x4000  }
0xa9: {  	[sflag:s13] =	ssyncset.done $0x0  }
0xaa: {  	[sflag:s13] =	ssyncadd.s32 $0xFFFFC000  }
0xab: {  	[tilespmem:s9], [sflag:$0x2] =	stream.indirect.gather [hbm4b:s5+s6], $0x80, s21, s6, $0xb8;
	[tilespmem:$0x8800] =	vst v63  }
0xac: {  	_ =	swait.ge [sflag:s10], $0x4000  }
0xad: {  	[sflag:s10] =	ssyncset.done $0x0  }
0xae: {  	[sflag:s10] =	ssyncadd.s32 $0xFFFFC000  }
0xaf: {  	[hbm4b:s22+s2] =	stream.linear.scatter [tilespmem:s9], [sflag:$0x4], $0x4000, $0x38;
	[tilespmem:$0x8800] =	vst v63  }
0xb0: {  	_ =	swait.ge [sflag:s11], $0x4000  }
0xb1: {  	[sflag:s11] =	ssyncset.done $0x0  }
0xb2: {  	[sflag:s11] =	ssyncadd.s32 $0xFFFFC000  }
0xb3: {  	[tilespmem:s7], [sflag:$0x1] =	stream.indirect.gather [hbm4b:s5+s6], $0x80, s23, s6, $0xb8;
	[tilespmem:$0x8800] =	vst v63  }
0xb4: {  	_ =	swait.ge [sflag:s8], $0x4000  }
0xb5: {  	[sflag:s8] =	ssyncset.done $0x0  }
0xb6: {  	[sflag:s8] =	ssyncadd.s32 $0xFFFFC000  }
0xb7: {  	[hbm4b:s24+s2] =	stream.linear.scatter [tilespmem:s7], [sflag:$0x3], $0x4000, $0x38;
	[tilespmem:$0x8800] =	vst v63  }
0xb8: {  	_ =	swait.ge [sflag:s13], $0x4000  }
0xb9: {  	[sflag:s13] =	ssyncset.done $0x0  }
0xba: {  	[sflag:s13] =	ssyncadd.s32 $0xFFFFC000  }
0xbb: {  	[tilespmem:s9], [sflag:$0x2] =	stream.indirect.gather [hbm4b:s5+s6], $0x80, s25, s6, $0xb8;
	[tilespmem:$0x8800] =	vst v63  }
0xbc: {  	_ =	swait.ge [sflag:s10], $0x4000  }
0xbd: {  	[sflag:s10] =	ssyncset.done $0x0  }
0xbe: {  	[sflag:s10] =	ssyncadd.s32 $0xFFFFC000  }
0xbf: {  	[hbm4b:s26+s2] =	stream.linear.scatter [tilespmem:s9], [sflag:$0x4], $0x4000, $0x38;
	[tilespmem:$0x8800] =	vst v63  }
0xc0: {  	_ =	swait.ge [sflag:s11], $0x4000  }
0xc1: {  	[sflag:s11] =	ssyncset.done $0x0  }
0xc2: {  	[sflag:s11] =	ssyncadd.s32 $0xFFFFC000  }
0xc3: {  	[tilespmem:s7], [sflag:$0x1] =	stream.indirect.gather [hbm4b:s5+s6], $0x80, s28, s6, $0xb8;
	[tilespmem:$0x8800] =	vst v63  }
0xc4: {  	_ =	swait.ge [sflag:s8], $0x4000  }
0xc5: {  	[sflag:s8] =	ssyncset.done $0x0  }
0xc6: {  	[sflag:s8] =	ssyncadd.s32 $0xFFFFC000  }
0xc7: {  	[hbm4b:s29+s2] =	stream.linear.scatter [tilespmem:s7], [sflag:$0x3], $0x4000, $0x38;
	[tilespmem:$0x8800] =	vst v63  }
0xc8: {  	_ =	swait.ge [sflag:s13], $0x4000  }
0xc9: {  	[sflag:s13] =	ssyncset.done $0x0  }
0xca: {  	[sflag:s13] =	ssyncadd.s32 $0xFFFFC000  }
0xcb: {  	[tilespmem:s9], [sflag:$0x2] =	stream.indirect.gather [hbm4b:s5+s6], $0x80, s30, s6, $0xb8;
	[tilespmem:$0x8800] =	vst v63  }
0xcc: {  	_ =	swait.ge [sflag:s10], $0x4000  }
0xcd: {  	[sflag:s10] =	ssyncset.done $0x0  }
0xce: {  	p0 =	sne.s32 s1, $0x1;
	[sflag:s10] =	ssyncadd.s32 $0xFFFFC000  }
0xcf: {  	[hbm4b:s31+s2] =	stream.linear.scatter [tilespmem:s9], [sflag:$0x4], $0x4000, $0x38;
	[tilespmem:$0x8800] =	vst v63  }
.Ltmp1:
0xd0: {  	_ =	swait.ge [sflag:s11], $0x4000;
	(pc) =	sbr.rel @p0 .LBB2_1-.Ltmp1, $4  }
0xd1: {  	[sflag:s11] =	ssyncset.done $0x0  }
0xd2: {  	[sflag:s11] =	ssyncadd.s32 $0xFFFFC000  }
0xd3: {  	_ =	swait.ge [sflag:s13], $0x4000  }
0xd4: {  	s1 =	sadd.s32 $0xFFFFFFFF, s1;
	[sflag:s13] =	ssyncset.done $0x0  }
.LBB2_2:
0xd5: {  	[sflag:s13] =	ssyncadd.s32 $0xFFFFC000  }
0xd6: {  	_ =	sfence.sel $0x180000  }
0xd7: {  	[bflag:$0x0] =	sbarrier.arrive $0xFFFF  }
0xd8: {  	_ =	strace $0x90000047  }
0xd9: {  	s0 =	stileid.u32;
	[bflag:$0x2] =	sbarrier.arrive $0xFFFF  }
0xda: {  	p0 =	sne.s32 s0, $0x0;
	s0 =	rddreg [dreg:$0x1]  }
0xdb: {  	s0 =	sadd.s32 @!p0 $0x100000, s0  }
0xdc: {  	[sflag:s0] =	ssyncadd.tile.s32 @!p0 $0x1;
	_ =	shalt  }
.Lfunc_end2:
_tile_overlayer_lowered:
.L_overlay_start_2:
0xdd: {  	(tag) =	ssettag $0x2  }
0xde: {  	s0 =	rddreg [dreg:$0x0];
	s2 =	stileid.u32  }
0xdf: {  	s1 =	rddreg [dreg:$0x1];
	p0 =	sne.s32 s2, $0x0  }
0xe0: {  	s3 =	rddreg [dreg:$0x2];
	[bflag:$0x3] =	sbarrier.arrive $0xFFFF;
	s2 =	simm.s32 @!p0 $0x1C05  }
0xe1: {  	[timem:s3], [sflag:s2] =	dma.local @!p0 [hbm:s0], s1  }
0xe2: {  	s0 =	simm.s32 @!p0 $0x5  }
0xe3: {  	_ =	swait.ge @!p0 [sflag:s0], s1  }
0xe4: {  	s1 =	ssub.s32 @!p0 $0x0, s1;
	[sflag:s0] =	ssyncset.done @!p0 $0x0  }
0xe5: {  	[sflag:s0] =	ssyncadd.s32 @!p0 s1  }
0xe6: {  	[bflag:$0x3] =	sbarrier.arrive $0xFFFF  }
0xe7: {  	_ =	shalt  }

</sc_bundles>
